<compile_context>
chip_gen: v7x
topology: tpu7x:2x2x1
jax: 0.10.2.dev20260603
libtpu: 0.0.44.dev20260713+nightly
codegen_flags: <defaults>
</compile_context>

<pallas_src>
import jax
import jax.numpy as jnp
from jax.experimental import pallas as pl
from jax.experimental.pallas import tpu as pltpu

B, T, H, A, E, L = 128, 512, 1024, 128, 16, 1000


def _adapter_head_kernel(lh_ref, vids_ref, Wd_ref, bd_ref, Wu_ref, bu_ref,
                         Wc_ref, bc_ref, out_ref):
    x = lh_ref[...]
    vids = vids_ref[...]
    up = jnp.zeros((B, H), dtype=jnp.float32)
    for e in range(E):
        m = (vids == e).astype(jnp.float32)
        h = jnp.dot(x, Wd_ref[e], preferred_element_type=jnp.float32)
        h = jnp.maximum(h + bd_ref[e], 0.0) * m
        up = up + jnp.dot(h, Wu_ref[e], preferred_element_type=jnp.float32)
        up = up + m * bu_ref[e]
    out = x + up
    logits = jnp.dot(out, Wc_ref[...], preferred_element_type=jnp.float32)
    out_ref[...] = logits + bc_ref[...]


def kernel(last_hidden, attention_mask, variety_ids, W_down, b_down, W_up,
           b_up, W_c, b_c):
    vids = variety_ids.reshape(B, 1)
    lh_flat = last_hidden.reshape(B, T * H)
    logits = pl.pallas_call(
        _adapter_head_kernel,
        grid=(1,),
        in_specs=[
            pl.BlockSpec((B, H), lambda i: (0, 0)),
            pl.BlockSpec((B, 1), lambda i: (0, 0)),
            pl.BlockSpec((E, H, A), lambda i: (0, 0, 0)),
            pl.BlockSpec((E, 1, A), lambda i: (0, 0, 0)),
            pl.BlockSpec((E, A, H), lambda i: (0, 0, 0)),
            pl.BlockSpec((E, 1, H), lambda i: (0, 0, 0)),
            pl.BlockSpec((H, L), lambda i: (0, 0)),
            pl.BlockSpec((1, L), lambda i: (0, 0)),
        ],
        out_specs=pl.BlockSpec((B, L), lambda i: (0, 0)),
        out_shape=jax.ShapeDtypeStruct((B, L), jnp.float32),
    )(lh_flat, vids, W_down, b_down.reshape(E, 1, A), W_up,
      b_up.reshape(E, 1, H), W_c, b_c.reshape(1, L))
    return logits

# --- scband reference (transcript-rebuilt; emitter-appended) ---
"""Pipeline reference for scband-variety-adapter-head-48730698940499 (READ-ONLY COPY).

The authoritative reference and input builder live on the scoring server;
editing this copy changes nothing except your own understanding.
"""

import jax, jax.numpy as jnp
import numpy as np

B, T, H, A, E, L = 128, 512, 1024, 128, 16, 1000


def setup_inputs(seed: int = 0) -> dict:
    key = jax.random.key(seed)
    ks = jax.random.split(key, 8)
    last_hidden = jax.random.normal(ks[0], (B, T, H), dtype=jnp.float32)
    attention_mask = jnp.ones((B, T), dtype=jnp.int32)
    variety_ids = jax.random.randint(ks[1], (B,), 0, E, dtype=jnp.int32)
    # Stacked per-variety adapter params (one bottleneck adapter per variety)
    W_down = jax.random.normal(ks[2], (E, H, A), dtype=jnp.float32) * 0.02
    b_down = jnp.zeros((E, A), dtype=jnp.float32)
    W_up = jax.random.normal(ks[3], (E, A, H), dtype=jnp.float32) * 0.02
    b_up = jnp.zeros((E, H), dtype=jnp.float32)
    # Classifier
    W_c = jax.random.normal(ks[4], (H, L), dtype=jnp.float32) * 0.02
    b_c = jnp.zeros((L,), dtype=jnp.float32)
    return {
        "last_hidden": last_hidden,
        "attention_mask": attention_mask,
        "variety_ids": variety_ids,
        "W_down": W_down,
        "b_down": b_down,
        "W_up": W_up,
        "b_up": b_up,
        "W_c": W_c,
        "b_c": b_c,
    }


def reference(last_hidden, attention_mask, variety_ids, W_down, b_down, W_up, b_up, W_c, b_c):
    # x = last_hidden[:, 0, :]  (CLS embedding)
    x = last_hidden[:, 0, :]
    # The torch loop over unique variety ids with boolean masks is mathematically
    # equivalent to gathering each example's adapter weights by variety_id and
    # applying them per-example.
    Wd = jnp.take(W_down, variety_ids, axis=0)   # (B, H, A) gather
    bd = jnp.take(b_down, variety_ids, axis=0)   # (B, A)
    Wu = jnp.take(W_up, variety_ids, axis=0)     # (B, A, H)
    bu = jnp.take(b_up, variety_ids, axis=0)     # (B, H)
    h = jax.nn.relu(jnp.einsum('bh,bha->ba', x, Wd) + bd)
    up = jnp.einsum('ba,bah->bh', h, Wu) + bu
    out = x + up  # residual bottleneck adapter
    # dropout is identity at inference
    logits = out @ W_c + b_c
    return logits

if __name__ == "__main__":
    import jax
    _d = setup_inputs()
    print(jax.jit(kernel)(*tuple(_d.values())))

</pallas_src>

<mosaic_0001>
module attributes {stable_mosaic.version = 14 : i64} {
  func.func @_adapter_head_kernel(%arg0: i32, %arg1: memref<128x1024xf32, #tpu.memory_space<vmem>>, %arg2: memref<128x1xi32, #tpu.memory_space<vmem>>, %arg3: memref<16x1024x128xf32, #tpu.memory_space<vmem>>, %arg4: memref<16x1x128xf32, #tpu.memory_space<vmem>>, %arg5: memref<16x128x1024xf32, #tpu.memory_space<vmem>>, %arg6: memref<16x1x1024xf32, #tpu.memory_space<vmem>>, %arg7: memref<1024x1000xf32, #tpu.memory_space<vmem>>, %arg8: memref<1x1000xf32, #tpu.memory_space<vmem>>, %arg9: memref<128x1000xf32, #tpu.memory_space<vmem>>) attributes {dimension_semantics = [#tpu.dimension_semantics<arbitrary>], iteration_bounds = array<i64: 1>, scalar_prefetch = 0 : i64, scratch_operands = 0 : i64, tpu.core_type = #tpu.core_type<tc>, window_params = [{transform_indices = @transform_0, window_bounds = array<i64: 128, 1024>}, {pipeline_mode = #tpu.pipeline_mode<synchronous>, transform_indices = @transform_1, window_bounds = array<i64: 128, 1>}, {pipeline_mode = #tpu.pipeline_mode<synchronous>, transform_indices = @transform_2, window_bounds = array<i64: 16, 1024, 128>}, {pipeline_mode = #tpu.pipeline_mode<synchronous>, transform_indices = @transform_3, window_bounds = array<i64: 16, 1, 128>}, {pipeline_mode = #tpu.pipeline_mode<synchronous>, transform_indices = @transform_4, window_bounds = array<i64: 16, 128, 1024>}, {pipeline_mode = #tpu.pipeline_mode<synchronous>, transform_indices = @transform_5, window_bounds = array<i64: 16, 1, 1024>}, {pipeline_mode = #tpu.pipeline_mode<synchronous>, transform_indices = @transform_6, window_bounds = array<i64: 1024, 1000>}, {pipeline_mode = #tpu.pipeline_mode<synchronous>, transform_indices = @transform_7, window_bounds = array<i64: 1, 1000>}, {pipeline_mode = #tpu.pipeline_mode<synchronous>, transform_indices = @transform_8, window_bounds = array<i64: 128, 1000>}]} {
    %get3A = arith.constant 0 : index
    %get3A_0 = arith.constant 0 : index
    %get3A_1 = vector.load %arg1[%get3A, %get3A_0] : memref<128x1024xf32, #tpu.memory_space<vmem>>, vector<128x1024xf32>
    %get3A_2 = arith.constant 0 : index
    %get3A_3 = arith.constant 0 : index
    %get3A_4 = vector.load %arg2[%get3A_2, %get3A_3] : memref<128x1xi32, #tpu.memory_space<vmem>>, vector<128x1xi32>
    %broadcast_in_dim3A = arith.constant 0.000000e+00 : f32
    %broadcast_in_dim3A_5 = vector.broadcast %broadcast_in_dim3A : f32 to vector<128x1024xf32>
    %eq3A = arith.constant 0 : i32
    %eq3A_6 = vector.broadcast %eq3A : i32 to vector<128x1xi32>
    %eq3A_7 = arith.cmpi eq, %get3A_4, %eq3A_6 : vector<128x1xi32>
    %convert_element_type3A = arith.extui %eq3A_7 : vector<128x1xi1> to vector<128x1xi32>
    %convert_element_type3A_8 = arith.sitofp %convert_element_type3A : vector<128x1xi32> to vector<128x1xf32>
    %get3A_9 = arith.constant 0 : index
    %get3A_10 = arith.constant 0 : index
    %get3A_11 = arith.constant 0 : index
    %get3A_12 = vector.load %arg3[%get3A_9, %get3A_10, %get3A_11] : memref<16x1024x128xf32, #tpu.memory_space<vmem>>, vector<1x1024x128xf32>
    %get3A_13 = vector.shape_cast %get3A_12 : vector<1x1024x128xf32> to vector<1024x128xf32>
    %dot_general3A = arith.constant dense<0.000000e+00> : vector<128x128xf32>
    %dot_general3A_14 = tpu.matmul %get3A_1, %get3A_13, %dot_general3A {dimension_numbers = #tpu.dot_dimension_numbers<[1], [0], [0], [1], [0, 0, 1, 1], [], []>, transpose_lhs_hint = false} : vector<128x1024xf32>, vector<1024x128xf32>, vector<128x128xf32> -> vector<128x128xf32>
    %get3A_15 = arith.constant 0 : index
    %get3A_16 = arith.constant 0 : index
    %get3A_17 = arith.constant 0 : index
    %get3A_18 = vector.load %arg4[%get3A_15, %get3A_16, %get3A_17] : memref<16x1x128xf32, #tpu.memory_space<vmem>>, vector<1x1x128xf32>
    %get3A_19 = vector.shape_cast %get3A_18 : vector<1x1x128xf32> to vector<1x128xf32>
    %add3A = vector.broadcast %get3A_19 : vector<1x128xf32> to vector<128x128xf32>
    %add3A_20 = arith.addf %dot_general3A_14, %add3A : vector<128x128xf32>
    %max3A = arith.constant 0.000000e+00 : f32
    %max3A_21 = vector.broadcast %max3A : f32 to vector<128x128xf32>
    %max3A_22 = arith.maximumf %add3A_20, %max3A_21 : vector<128x128xf32>
    %mul3A = vector.broadcast %convert_element_type3A_8 : vector<128x1xf32> to vector<128x128xf32>
    %mul3A_23 = arith.mulf %max3A_22, %mul3A : vector<128x128xf32>
    %get3A_24 = arith.constant 0 : index
    %get3A_25 = arith.constant 0 : index
    %get3A_26 = arith.constant 0 : index
    %get3A_27 = vector.load %arg5[%get3A_24, %get3A_25, %get3A_26] : memref<16x128x1024xf32, #tpu.memory_space<vmem>>, vector<1x128x1024xf32>
    %get3A_28 = vector.shape_cast %get3A_27 : vector<1x128x1024xf32> to vector<128x1024xf32>
    %dot_general3A_29 = arith.constant dense<0.000000e+00> : vector<128x1024xf32>
    %dot_general3A_30 = tpu.matmul %mul3A_23, %get3A_28, %dot_general3A_29 {dimension_numbers = #tpu.dot_dimension_numbers<[1], [0], [0], [1], [0, 0, 1, 1], [], []>, transpose_lhs_hint = false} : vector<128x128xf32>, vector<128x1024xf32>, vector<128x1024xf32> -> vector<128x1024xf32>
    %add3A_31 = arith.addf %broadcast_in_dim3A_5, %dot_general3A_30 : vector<128x1024xf32>
    %get3A_32 = arith.constant 0 : index
    %get3A_33 = arith.constant 0 : index
    %get3A_34 = arith.constant 0 : index
    %get3A_35 = vector.load %arg6[%get3A_32, %get3A_33, %get3A_34] : memref<16x1x1024xf32, #tpu.memory_space<vmem>>, vector<1x1x1024xf32>
    %get3A_36 = vector.shape_cast %get3A_35 : vector<1x1x1024xf32> to vector<1x1024xf32>
    %mul3A_37 = vector.broadcast %convert_element_type3A_8 : vector<128x1xf32> to vector<128x1024xf32>
    %mul3A_38 = vector.broadcast %get3A_36 : vector<1x1024xf32> to vector<128x1024xf32>
    %mul3A_39 = arith.mulf %mul3A_37, %mul3A_38 : vector<128x1024xf32>
    %add3A_40 = arith.addf %add3A_31, %mul3A_39 : vector<128x1024xf32>
    %eq3A_41 = arith.constant 1 : i32
    %eq3A_42 = vector.broadcast %eq3A_41 : i32 to vector<128x1xi32>
    %eq3A_43 = arith.cmpi eq, %get3A_4, %eq3A_42 : vector<128x1xi32>
    %convert_element_type3A_44 = arith.extui %eq3A_43 : vector<128x1xi1> to vector<128x1xi32>
    %convert_element_type3A_45 = arith.sitofp %convert_element_type3A_44 : vector<128x1xi32> to vector<128x1xf32>
    %get3A_46 = arith.constant 1 : index
    %get3A_47 = arith.constant 0 : index
    %get3A_48 = arith.constant 0 : index
    %get3A_49 = vector.load %arg3[%get3A_46, %get3A_47, %get3A_48] : memref<16x1024x128xf32, #tpu.memory_space<vmem>>, vector<1x1024x128xf32>
    %get3A_50 = vector.shape_cast %get3A_49 : vector<1x1024x128xf32> to vector<1024x128xf32>
    %dot_general3A_51 = arith.constant dense<0.000000e+00> : vector<128x128xf32>
    %dot_general3A_52 = tpu.matmul %get3A_1, %get3A_50, %dot_general3A_51 {dimension_numbers = #tpu.dot_dimension_numbers<[1], [0], [0], [1], [0, 0, 1, 1], [], []>, transpose_lhs_hint = false} : vector<128x1024xf32>, vector<1024x128xf32>, vector<128x128xf32> -> vector<128x128xf32>
    %get3A_53 = arith.constant 1 : index
    %get3A_54 = arith.constant 0 : index
    %get3A_55 = arith.constant 0 : index
    %get3A_56 = vector.load %arg4[%get3A_53, %get3A_54, %get3A_55] : memref<16x1x128xf32, #tpu.memory_space<vmem>>, vector<1x1x128xf32>
    %get3A_57 = vector.shape_cast %get3A_56 : vector<1x1x128xf32> to vector<1x128xf32>
    %add3A_58 = vector.broadcast %get3A_57 : vector<1x128xf32> to vector<128x128xf32>
    %add3A_59 = arith.addf %dot_general3A_52, %add3A_58 : vector<128x128xf32>
    %max3A_60 = arith.constant 0.000000e+00 : f32
    %max3A_61 = vector.broadcast %max3A_60 : f32 to vector<128x128xf32>
    %max3A_62 = arith.maximumf %add3A_59, %max3A_61 : vector<128x128xf32>
    %mul3A_63 = vector.broadcast %convert_element_type3A_45 : vector<128x1xf32> to vector<128x128xf32>
    %mul3A_64 = arith.mulf %max3A_62, %mul3A_63 : vector<128x128xf32>
    %get3A_65 = arith.constant 1 : index
    %get3A_66 = arith.constant 0 : index
    %get3A_67 = arith.constant 0 : index
    %get3A_68 = vector.load %arg5[%get3A_65, %get3A_66, %get3A_67] : memref<16x128x1024xf32, #tpu.memory_space<vmem>>, vector<1x128x1024xf32>
    %get3A_69 = vector.shape_cast %get3A_68 : vector<1x128x1024xf32> to vector<128x1024xf32>
    %dot_general3A_70 = arith.constant dense<0.000000e+00> : vector<128x1024xf32>
    %dot_general3A_71 = tpu.matmul %mul3A_64, %get3A_69, %dot_general3A_70 {dimension_numbers = #tpu.dot_dimension_numbers<[1], [0], [0], [1], [0, 0, 1, 1], [], []>, transpose_lhs_hint = false} : vector<128x128xf32>, vector<128x1024xf32>, vector<128x1024xf32> -> vector<128x1024xf32>
    %add3A_72 = arith.addf %add3A_40, %dot_general3A_71 : vector<128x1024xf32>
    %get3A_73 = arith.constant 1 : index
    %get3A_74 = arith.constant 0 : index
    %get3A_75 = arith.constant 0 : index
    %get3A_76 = vector.load %arg6[%get3A_73, %get3A_74, %get3A_75] : memref<16x1x1024xf32, #tpu.memory_space<vmem>>, vector<1x1x1024xf32>
    %get3A_77 = vector.shape_cast %get3A_76 : vector<1x1x1024xf32> to vector<1x1024xf32>
    %mul3A_78 = vector.broadcast %convert_element_type3A_45 : vector<128x1xf32> to vector<128x1024xf32>
    %mul3A_79 = vector.broadcast %get3A_77 : vector<1x1024xf32> to vector<128x1024xf32>
    %mul3A_80 = arith.mulf %mul3A_78, %mul3A_79 : vector<128x1024xf32>
    %add3A_81 = arith.addf %add3A_72, %mul3A_80 : vector<128x1024xf32>
    %eq3A_82 = arith.constant 2 : i32
    %eq3A_83 = vector.broadcast %eq3A_82 : i32 to vector<128x1xi32>
    %eq3A_84 = arith.cmpi eq, %get3A_4, %eq3A_83 : vector<128x1xi32>
    %convert_element_type3A_85 = arith.extui %eq3A_84 : vector<128x1xi1> to vector<128x1xi32>
    %convert_element_type3A_86 = arith.sitofp %convert_element_type3A_85 : vector<128x1xi32> to vector<128x1xf32>
    %get3A_87 = arith.constant 2 : index
    %get3A_88 = arith.constant 0 : index
    %get3A_89 = arith.constant 0 : index
    %get3A_90 = vector.load %arg3[%get3A_87, %get3A_88, %get3A_89] : memref<16x1024x128xf32, #tpu.memory_space<vmem>>, vector<1x1024x128xf32>
    %get3A_91 = vector.shape_cast %get3A_90 : vector<1x1024x128xf32> to vector<1024x128xf32>
    %dot_general3A_92 = arith.constant dense<0.000000e+00> : vector<128x128xf32>
    %dot_general3A_93 = tpu.matmul %get3A_1, %get3A_91, %dot_general3A_92 {dimension_numbers = #tpu.dot_dimension_numbers<[1], [0], [0], [1], [0, 0, 1, 1], [], []>, transpose_lhs_hint = false} : vector<128x1024xf32>, vector<1024x128xf32>, vector<128x128xf32> -> vector<128x128xf32>
    %get3A_94 = arith.constant 2 : index
    %get3A_95 = arith.constant 0 : index
    %get3A_96 = arith.constant 0 : index
    %get3A_97 = vector.load %arg4[%get3A_94, %get3A_95, %get3A_96] : memref<16x1x128xf32, #tpu.memory_space<vmem>>, vector<1x1x128xf32>
    %get3A_98 = vector.shape_cast %get3A_97 : vector<1x1x128xf32> to vector<1x128xf32>
    %add3A_99 = vector.broadcast %get3A_98 : vector<1x128xf32> to vector<128x128xf32>
    %add3A_100 = arith.addf %dot_general3A_93, %add3A_99 : vector<128x128xf32>
    %max3A_101 = arith.constant 0.000000e+00 : f32
    %max3A_102 = vector.broadcast %max3A_101 : f32 to vector<128x128xf32>
    %max3A_103 = arith.maximumf %add3A_100, %max3A_102 : vector<128x128xf32>
    %mul3A_104 = vector.broadcast %convert_element_type3A_86 : vector<128x1xf32> to vector<128x128xf32>
    %mul3A_105 = arith.mulf %max3A_103, %mul3A_104 : vector<128x128xf32>
    %get3A_106 = arith.constant 2 : index
    %get3A_107 = arith.constant 0 : index
    %get3A_108 = arith.constant 0 : index
    %get3A_109 = vector.load %arg5[%get3A_106, %get3A_107, %get3A_108] : memref<16x128x1024xf32, #tpu.memory_space<vmem>>, vector<1x128x1024xf32>
    %get3A_110 = vector.shape_cast %get3A_109 : vector<1x128x1024xf32> to vector<128x1024xf32>
    %dot_general3A_111 = arith.constant dense<0.000000e+00> : vector<128x1024xf32>
    %dot_general3A_112 = tpu.matmul %mul3A_105, %get3A_110, %dot_general3A_111 {dimension_numbers = #tpu.dot_dimension_numbers<[1], [0], [0], [1], [0, 0, 1, 1], [], []>, transpose_lhs_hint = false} : vector<128x128xf32>, vector<128x1024xf32>, vector<128x1024xf32> -> vector<128x1024xf32>
    %add3A_113 = arith.addf %add3A_81, %dot_general3A_112 : vector<128x1024xf32>
    %get3A_114 = arith.constant 2 : index
    %get3A_115 = arith.constant 0 : index
    %get3A_116 = arith.constant 0 : index
    %get3A_117 = vector.load %arg6[%get3A_114, %get3A_115, %get3A_116] : memref<16x1x1024xf32, #tpu.memory_space<vmem>>, vector<1x1x1024xf32>
    %get3A_118 = vector.shape_cast %get3A_117 : vector<1x1x1024xf32> to vector<1x1024xf32>
    %mul3A_119 = vector.broadcast %convert_element_type3A_86 : vector<128x1xf32> to vector<128x1024xf32>
    %mul3A_120 = vector.broadcast %get3A_118 : vector<1x1024xf32> to vector<128x1024xf32>
    %mul3A_121 = arith.mulf %mul3A_119, %mul3A_120 : vector<128x1024xf32>
    %add3A_122 = arith.addf %add3A_113, %mul3A_121 : vector<128x1024xf32>
    %eq3A_123 = arith.constant 3 : i32
    %eq3A_124 = vector.broadcast %eq3A_123 : i32 to vector<128x1xi32>
    %eq3A_125 = arith.cmpi eq, %get3A_4, %eq3A_124 : vector<128x1xi32>
    %convert_element_type3A_126 = arith.extui %eq3A_125 : vector<128x1xi1> to vector<128x1xi32>
    %convert_element_type3A_127 = arith.sitofp %convert_element_type3A_126 : vector<128x1xi32> to vector<128x1xf32>
    %get3A_128 = arith.constant 3 : index
    %get3A_129 = arith.constant 0 : index
    %get3A_130 = arith.constant 0 : index
    %get3A_131 = vector.load %arg3[%get3A_128, %get3A_129, %get3A_130] : memref<16x1024x128xf32, #tpu.memory_space<vmem>>, vector<1x1024x128xf32>
    %get3A_132 = vector.shape_cast %get3A_131 : vector<1x1024x128xf32> to vector<1024x128xf32>
    %dot_general3A_133 = arith.constant dense<0.000000e+00> : vector<128x128xf32>
    %dot_general3A_134 = tpu.matmul %get3A_1, %get3A_132, %dot_general3A_133 {dimension_numbers = #tpu.dot_dimension_numbers<[1], [0], [0], [1], [0, 0, 1, 1], [], []>, transpose_lhs_hint = false} : vector<128x1024xf32>, vector<1024x128xf32>, vector<128x128xf32> -> vector<128x128xf32>
    %get3A_135 = arith.constant 3 : index
    %get3A_136 = arith.constant 0 : index
    %get3A_137 = arith.constant 0 : index
    %get3A_138 = vector.load %arg4[%get3A_135, %get3A_136, %get3A_137] : memref<16x1x128xf32, #tpu.memory_space<vmem>>, vector<1x1x128xf32>
    %get3A_139 = vector.shape_cast %get3A_138 : vector<1x1x128xf32> to vector<1x128xf32>
    %add3A_140 = vector.broadcast %get3A_139 : vector<1x128xf32> to vector<128x128xf32>
    %add3A_141 = arith.addf %dot_general3A_134, %add3A_140 : vector<128x128xf32>
    %max3A_142 = arith.constant 0.000000e+00 : f32
    %max3A_143 = vector.broadcast %max3A_142 : f32 to vector<128x128xf32>
    %max3A_144 = arith.maximumf %add3A_141, %max3A_143 : vector<128x128xf32>
    %mul3A_145 = vector.broadcast %convert_element_type3A_127 : vector<128x1xf32> to vector<128x128xf32>
    %mul3A_146 = arith.mulf %max3A_144, %mul3A_145 : vector<128x128xf32>
    %get3A_147 = arith.constant 3 : index
    %get3A_148 = arith.constant 0 : index
    %get3A_149 = arith.constant 0 : index
    %get3A_150 = vector.load %arg5[%get3A_147, %get3A_148, %get3A_149] : memref<16x128x1024xf32, #tpu.memory_space<vmem>>, vector<1x128x1024xf32>
    %get3A_151 = vector.shape_cast %get3A_150 : vector<1x128x1024xf32> to vector<128x1024xf32>
    %dot_general3A_152 = arith.constant dense<0.000000e+00> : vector<128x1024xf32>
    %dot_general3A_153 = tpu.matmul %mul3A_146, %get3A_151, %dot_general3A_152 {dimension_numbers = #tpu.dot_dimension_numbers<[1], [0], [0], [1], [0, 0, 1, 1], [], []>, transpose_lhs_hint = false} : vector<128x128xf32>, vector<128x1024xf32>, vector<128x1024xf32> -> vector<128x1024xf32>
    %add3A_154 = arith.addf %add3A_122, %dot_general3A_153 : vector<128x1024xf32>
    %get3A_155 = arith.constant 3 : index
    %get3A_156 = arith.constant 0 : index
    %get3A_157 = arith.constant 0 : index
    %get3A_158 = vector.load %arg6[%get3A_155, %get3A_156, %get3A_157] : memref<16x1x1024xf32, #tpu.memory_space<vmem>>, vector<1x1x1024xf32>
    %get3A_159 = vector.shape_cast %get3A_158 : vector<1x1x1024xf32> to vector<1x1024xf32>
    %mul3A_160 = vector.broadcast %convert_element_type3A_127 : vector<128x1xf32> to vector<128x1024xf32>
    %mul3A_161 = vector.broadcast %get3A_159 : vector<1x1024xf32> to vector<128x1024xf32>
    %mul3A_162 = arith.mulf %mul3A_160, %mul3A_161 : vector<128x1024xf32>
    %add3A_163 = arith.addf %add3A_154, %mul3A_162 : vector<128x1024xf32>
    %eq3A_164 = arith.constant 4 : i32
    %eq3A_165 = vector.broadcast %eq3A_164 : i32 to vector<128x1xi32>
    %eq3A_166 = arith.cmpi eq, %get3A_4, %eq3A_165 : vector<128x1xi32>
    %convert_element_type3A_167 = arith.extui %eq3A_166 : vector<128x1xi1> to vector<128x1xi32>
    %convert_element_type3A_168 = arith.sitofp %convert_element_type3A_167 : vector<128x1xi32> to vector<128x1xf32>
    %get3A_169 = arith.constant 4 : index
    %get3A_170 = arith.constant 0 : index
    %get3A_171 = arith.constant 0 : index
    %get3A_172 = vector.load %arg3[%get3A_169, %get3A_170, %get3A_171] : memref<16x1024x128xf32, #tpu.memory_space<vmem>>, vector<1x1024x128xf32>
    %get3A_173 = vector.shape_cast %get3A_172 : vector<1x1024x128xf32> to vector<1024x128xf32>
    %dot_general3A_174 = arith.constant dense<0.000000e+00> : vector<128x128xf32>
    %dot_general3A_175 = tpu.matmul %get3A_1, %get3A_173, %dot_general3A_174 {dimension_numbers = #tpu.dot_dimension_numbers<[1], [0], [0], [1], [0, 0, 1, 1], [], []>, transpose_lhs_hint = false} : vector<128x1024xf32>, vector<1024x128xf32>, vector<128x128xf32> -> vector<128x128xf32>
    %get3A_176 = arith.constant 4 : index
    %get3A_177 = arith.constant 0 : index
    %get3A_178 = arith.constant 0 : index
    %get3A_179 = vector.load %arg4[%get3A_176, %get3A_177, %get3A_178] : memref<16x1x128xf32, #tpu.memory_space<vmem>>, vector<1x1x128xf32>
    %get3A_180 = vector.shape_cast %get3A_179 : vector<1x1x128xf32> to vector<1x128xf32>
    %add3A_181 = vector.broadcast %get3A_180 : vector<1x128xf32> to vector<128x128xf32>
    %add3A_182 = arith.addf %dot_general3A_175, %add3A_181 : vector<128x128xf32>
    %max3A_183 = arith.constant 0.000000e+00 : f32
    %max3A_184 = vector.broadcast %max3A_183 : f32 to vector<128x128xf32>
    %max3A_185 = arith.maximumf %add3A_182, %max3A_184 : vector<128x128xf32>
    %mul3A_186 = vector.broadcast %convert_element_type3A_168 : vector<128x1xf32> to vector<128x128xf32>
    %mul3A_187 = arith.mulf %max3A_185, %mul3A_186 : vector<128x128xf32>
    %get3A_188 = arith.constant 4 : index
    %get3A_189 = arith.constant 0 : index
    %get3A_190 = arith.constant 0 : index
    %get3A_191 = vector.load %arg5[%get3A_188, %get3A_189, %get3A_190] : memref<16x128x1024xf32, #tpu.memory_space<vmem>>, vector<1x128x1024xf32>
    %get3A_192 = vector.shape_cast %get3A_191 : vector<1x128x1024xf32> to vector<128x1024xf32>
    %dot_general3A_193 = arith.constant dense<0.000000e+00> : vector<128x1024xf32>
    %dot_general3A_194 = tpu.matmul %mul3A_187, %get3A_192, %dot_general3A_193 {dimension_numbers = #tpu.dot_dimension_numbers<[1], [0], [0], [1], [0, 0, 1, 1], [], []>, transpose_lhs_hint = false} : vector<128x128xf32>, vector<128x1024xf32>, vector<128x1024xf32> -> vector<128x1024xf32>
    %add3A_195 = arith.addf %add3A_163, %dot_general3A_194 : vector<128x1024xf32>
    %get3A_196 = arith.constant 4 : index
    %get3A_197 = arith.constant 0 : index
    %get3A_198 = arith.constant 0 : index
    %get3A_199 = vector.load %arg6[%get3A_196, %get3A_197, %get3A_198] : memref<16x1x1024xf32, #tpu.memory_space<vmem>>, vector<1x1x1024xf32>
    %get3A_200 = vector.shape_cast %get3A_199 : vector<1x1x1024xf32> to vector<1x1024xf32>
    %mul3A_201 = vector.broadcast %convert_element_type3A_168 : vector<128x1xf32> to vector<128x1024xf32>
    %mul3A_202 = vector.broadcast %get3A_200 : vector<1x1024xf32> to vector<128x1024xf32>
    %mul3A_203 = arith.mulf %mul3A_201, %mul3A_202 : vector<128x1024xf32>
    %add3A_204 = arith.addf %add3A_195, %mul3A_203 : vector<128x1024xf32>
    %eq3A_205 = arith.constant 5 : i32
    %eq3A_206 = vector.broadcast %eq3A_205 : i32 to vector<128x1xi32>
    %eq3A_207 = arith.cmpi eq, %get3A_4, %eq3A_206 : vector<128x1xi32>
    %convert_element_type3A_208 = arith.extui %eq3A_207 : vector<128x1xi1> to vector<128x1xi32>
    %convert_element_type3A_209 = arith.sitofp %convert_element_type3A_208 : vector<128x1xi32> to vector<128x1xf32>
    %get3A_210 = arith.constant 5 : index
    %get3A_211 = arith.constant 0 : index
    %get3A_212 = arith.constant 0 : index
    %get3A_213 = vector.load %arg3[%get3A_210, %get3A_211, %get3A_212] : memref<16x1024x128xf32, #tpu.memory_space<vmem>>, vector<1x1024x128xf32>
    %get3A_214 = vector.shape_cast %get3A_213 : vector<1x1024x128xf32> to vector<1024x128xf32>
    %dot_general3A_215 = arith.constant dense<0.000000e+00> : vector<128x128xf32>
    %dot_general3A_216 = tpu.matmul %get3A_1, %get3A_214, %dot_general3A_215 {dimension_numbers = #tpu.dot_dimension_numbers<[1], [0], [0], [1], [0, 0, 1, 1], [], []>, transpose_lhs_hint = false} : vector<128x1024xf32>, vector<1024x128xf32>, vector<128x128xf32> -> vector<128x128xf32>
    %get3A_217 = arith.constant 5 : index
    %get3A_218 = arith.constant 0 : index
    %get3A_219 = arith.constant 0 : index
    %get3A_220 = vector.load %arg4[%get3A_217, %get3A_218, %get3A_219] : memref<16x1x128xf32, #tpu.memory_space<vmem>>, vector<1x1x128xf32>
    %get3A_221 = vector.shape_cast %get3A_220 : vector<1x1x128xf32> to vector<1x128xf32>
    %add3A_222 = vector.broadcast %get3A_221 : vector<1x128xf32> to vector<128x128xf32>
    %add3A_223 = arith.addf %dot_general3A_216, %add3A_222 : vector<128x128xf32>
    %max3A_224 = arith.constant 0.000000e+00 : f32
    %max3A_225 = vector.broadcast %max3A_224 : f32 to vector<128x128xf32>
    %max3A_226 = arith.maximumf %add3A_223, %max3A_225 : vector<128x128xf32>
    %mul3A_227 = vector.broadcast %convert_element_type3A_209 : vector<128x1xf32> to vector<128x128xf32>
    %mul3A_228 = arith.mulf %max3A_226, %mul3A_227 : vector<128x128xf32>
    %get3A_229 = arith.constant 5 : index
    %get3A_230 = arith.constant 0 : index
    %get3A_231 = arith.constant 0 : index
    %get3A_232 = vector.load %arg5[%get3A_229, %get3A_230, %get3A_231] : memref<16x128x1024xf32, #tpu.memory_space<vmem>>, vector<1x128x1024xf32>
    %get3A_233 = vector.shape_cast %get3A_232 : vector<1x128x1024xf32> to vector<128x1024xf32>
    %dot_general3A_234 = arith.constant dense<0.000000e+00> : vector<128x1024xf32>
    %dot_general3A_235 = tpu.matmul %mul3A_228, %get3A_233, %dot_general3A_234 {dimension_numbers = #tpu.dot_dimension_numbers<[1], [0], [0], [1], [0, 0, 1, 1], [], []>, transpose_lhs_hint = false} : vector<128x128xf32>, vector<128x1024xf32>, vector<128x1024xf32> -> vector<128x1024xf32>
    %add3A_236 = arith.addf %add3A_204, %dot_general3A_235 : vector<128x1024xf32>
    %get3A_237 = arith.constant 5 : index
    %get3A_238 = arith.constant 0 : index
    %get3A_239 = arith.constant 0 : index
    %get3A_240 = vector.load %arg6[%get3A_237, %get3A_238, %get3A_239] : memref<16x1x1024xf32, #tpu.memory_space<vmem>>, vector<1x1x1024xf32>
    %get3A_241 = vector.shape_cast %get3A_240 : vector<1x1x1024xf32> to vector<1x1024xf32>
    %mul3A_242 = vector.broadcast %convert_element_type3A_209 : vector<128x1xf32> to vector<128x1024xf32>
    %mul3A_243 = vector.broadcast %get3A_241 : vector<1x1024xf32> to vector<128x1024xf32>
    %mul3A_244 = arith.mulf %mul3A_242, %mul3A_243 : vector<128x1024xf32>
    %add3A_245 = arith.addf %add3A_236, %mul3A_244 : vector<128x1024xf32>
    %eq3A_246 = arith.constant 6 : i32
    %eq3A_247 = vector.broadcast %eq3A_246 : i32 to vector<128x1xi32>
    %eq3A_248 = arith.cmpi eq, %get3A_4, %eq3A_247 : vector<128x1xi32>
    %convert_element_type3A_249 = arith.extui %eq3A_248 : vector<128x1xi1> to vector<128x1xi32>
    %convert_element_type3A_250 = arith.sitofp %convert_element_type3A_249 : vector<128x1xi32> to vector<128x1xf32>
    %get3A_251 = arith.constant 6 : index
    %get3A_252 = arith.constant 0 : index
    %get3A_253 = arith.constant 0 : index
    %get3A_254 = vector.load %arg3[%get3A_251, %get3A_252, %get3A_253] : memref<16x1024x128xf32, #tpu.memory_space<vmem>>, vector<1x1024x128xf32>
    %get3A_255 = vector.shape_cast %get3A_254 : vector<1x1024x128xf32> to vector<1024x128xf32>
    %dot_general3A_256 = arith.constant dense<0.000000e+00> : vector<128x128xf32>
    %dot_general3A_257 = tpu.matmul %get3A_1, %get3A_255, %dot_general3A_256 {dimension_numbers = #tpu.dot_dimension_numbers<[1], [0], [0], [1], [0, 0, 1, 1], [], []>, transpose_lhs_hint = false} : vector<128x1024xf32>, vector<1024x128xf32>, vector<128x128xf32> -> vector<128x128xf32>
    %get3A_258 = arith.constant 6 : index
    %get3A_259 = arith.constant 0 : index
    %get3A_260 = arith.constant 0 : index
    %get3A_261 = vector.load %arg4[%get3A_258, %get3A_259, %get3A_260] : memref<16x1x128xf32, #tpu.memory_space<vmem>>, vector<1x1x128xf32>
    %get3A_262 = vector.shape_cast %get3A_261 : vector<1x1x128xf32> to vector<1x128xf32>
    %add3A_263 = vector.broadcast %get3A_262 : vector<1x128xf32> to vector<128x128xf32>
    %add3A_264 = arith.addf %dot_general3A_257, %add3A_263 : vector<128x128xf32>
    %max3A_265 = arith.constant 0.000000e+00 : f32
    %max3A_266 = vector.broadcast %max3A_265 : f32 to vector<128x128xf32>
    %max3A_267 = arith.maximumf %add3A_264, %max3A_266 : vector<128x128xf32>
    %mul3A_268 = vector.broadcast %convert_element_type3A_250 : vector<128x1xf32> to vector<128x128xf32>
    %mul3A_269 = arith.mulf %max3A_267, %mul3A_268 : vector<128x128xf32>
    %get3A_270 = arith.constant 6 : index
    %get3A_271 = arith.constant 0 : index
    %get3A_272 = arith.constant 0 : index
    %get3A_273 = vector.load %arg5[%get3A_270, %get3A_271, %get3A_272] : memref<16x128x1024xf32, #tpu.memory_space<vmem>>, vector<1x128x1024xf32>
    %get3A_274 = vector.shape_cast %get3A_273 : vector<1x128x1024xf32> to vector<128x1024xf32>
    %dot_general3A_275 = arith.constant dense<0.000000e+00> : vector<128x1024xf32>
    %dot_general3A_276 = tpu.matmul %mul3A_269, %get3A_274, %dot_general3A_275 {dimension_numbers = #tpu.dot_dimension_numbers<[1], [0], [0], [1], [0, 0, 1, 1], [], []>, transpose_lhs_hint = false} : vector<128x128xf32>, vector<128x1024xf32>, vector<128x1024xf32> -> vector<128x1024xf32>
    %add3A_277 = arith.addf %add3A_245, %dot_general3A_276 : vector<128x1024xf32>
    %get3A_278 = arith.constant 6 : index
    %get3A_279 = arith.constant 0 : index
    %get3A_280 = arith.constant 0 : index
    %get3A_281 = vector.load %arg6[%get3A_278, %get3A_279, %get3A_280] : memref<16x1x1024xf32, #tpu.memory_space<vmem>>, vector<1x1x1024xf32>
    %get3A_282 = vector.shape_cast %get3A_281 : vector<1x1x1024xf32> to vector<1x1024xf32>
    %mul3A_283 = vector.broadcast %convert_element_type3A_250 : vector<128x1xf32> to vector<128x1024xf32>
    %mul3A_284 = vector.broadcast %get3A_282 : vector<1x1024xf32> to vector<128x1024xf32>
    %mul3A_285 = arith.mulf %mul3A_283, %mul3A_284 : vector<128x1024xf32>
    %add3A_286 = arith.addf %add3A_277, %mul3A_285 : vector<128x1024xf32>
    %eq3A_287 = arith.constant 7 : i32
    %eq3A_288 = vector.broadcast %eq3A_287 : i32 to vector<128x1xi32>
    %eq3A_289 = arith.cmpi eq, %get3A_4, %eq3A_288 : vector<128x1xi32>
    %convert_element_type3A_290 = arith.extui %eq3A_289 : vector<128x1xi1> to vector<128x1xi32>
    %convert_element_type3A_291 = arith.sitofp %convert_element_type3A_290 : vector<128x1xi32> to vector<128x1xf32>
    %get3A_292 = arith.constant 7 : index
    %get3A_293 = arith.constant 0 : index
    %get3A_294 = arith.constant 0 : index
    %get3A_295 = vector.load %arg3[%get3A_292, %get3A_293, %get3A_294] : memref<16x1024x128xf32, #tpu.memory_space<vmem>>, vector<1x1024x128xf32>
    %get3A_296 = vector.shape_cast %get3A_295 : vector<1x1024x128xf32> to vector<1024x128xf32>
    %dot_general3A_297 = arith.constant dense<0.000000e+00> : vector<128x128xf32>
    %dot_general3A_298 = tpu.matmul %get3A_1, %get3A_296, %dot_general3A_297 {dimension_numbers = #tpu.dot_dimension_numbers<[1], [0], [0], [1], [0, 0, 1, 1], [], []>, transpose_lhs_hint = false} : vector<128x1024xf32>, vector<1024x128xf32>, vector<128x128xf32> -> vector<128x128xf32>
    %get3A_299 = arith.constant 7 : index
    %get3A_300 = arith.constant 0 : index
    %get3A_301 = arith.constant 0 : index
    %get3A_302 = vector.load %arg4[%get3A_299, %get3A_300, %get3A_301] : memref<16x1x128xf32, #tpu.memory_space<vmem>>, vector<1x1x128xf32>
    %get3A_303 = vector.shape_cast %get3A_302 : vector<1x1x128xf32> to vector<1x128xf32>
    %add3A_304 = vector.broadcast %get3A_303 : vector<1x128xf32> to vector<128x128xf32>
    %add3A_305 = arith.addf %dot_general3A_298, %add3A_304 : vector<128x128xf32>
    %max3A_306 = arith.constant 0.000000e+00 : f32
    %max3A_307 = vector.broadcast %max3A_306 : f32 to vector<128x128xf32>
    %max3A_308 = arith.maximumf %add3A_305, %max3A_307 : vector<128x128xf32>
    %mul3A_309 = vector.broadcast %convert_element_type3A_291 : vector<128x1xf32> to vector<128x128xf32>
    %mul3A_310 = arith.mulf %max3A_308, %mul3A_309 : vector<128x128xf32>
    %get3A_311 = arith.constant 7 : index
    %get3A_312 = arith.constant 0 : index
    %get3A_313 = arith.constant 0 : index
    %get3A_314 = vector.load %arg5[%get3A_311, %get3A_312, %get3A_313] : memref<16x128x1024xf32, #tpu.memory_space<vmem>>, vector<1x128x1024xf32>
    %get3A_315 = vector.shape_cast %get3A_314 : vector<1x128x1024xf32> to vector<128x1024xf32>
    %dot_general3A_316 = arith.constant dense<0.000000e+00> : vector<128x1024xf32>
    %dot_general3A_317 = tpu.matmul %mul3A_310, %get3A_315, %dot_general3A_316 {dimension_numbers = #tpu.dot_dimension_numbers<[1], [0], [0], [1], [0, 0, 1, 1], [], []>, transpose_lhs_hint = false} : vector<128x128xf32>, vector<128x1024xf32>, vector<128x1024xf32> -> vector<128x1024xf32>
    %add3A_318 = arith.addf %add3A_286, %dot_general3A_317 : vector<128x1024xf32>
    %get3A_319 = arith.constant 7 : index
    %get3A_320 = arith.constant 0 : index
    %get3A_321 = arith.constant 0 : index
    %get3A_322 = vector.load %arg6[%get3A_319, %get3A_320, %get3A_321] : memref<16x1x1024xf32, #tpu.memory_space<vmem>>, vector<1x1x1024xf32>
    %get3A_323 = vector.shape_cast %get3A_322 : vector<1x1x1024xf32> to vector<1x1024xf32>
    %mul3A_324 = vector.broadcast %convert_element_type3A_291 : vector<128x1xf32> to vector<128x1024xf32>
    %mul3A_325 = vector.broadcast %get3A_323 : vector<1x1024xf32> to vector<128x1024xf32>
    %mul3A_326 = arith.mulf %mul3A_324, %mul3A_325 : vector<128x1024xf32>
    %add3A_327 = arith.addf %add3A_318, %mul3A_326 : vector<128x1024xf32>
    %eq3A_328 = arith.constant 8 : i32
    %eq3A_329 = vector.broadcast %eq3A_328 : i32 to vector<128x1xi32>
    %eq3A_330 = arith.cmpi eq, %get3A_4, %eq3A_329 : vector<128x1xi32>
    %convert_element_type3A_331 = arith.extui %eq3A_330 : vector<128x1xi1> to vector<128x1xi32>
    %convert_element_type3A_332 = arith.sitofp %convert_element_type3A_331 : vector<128x1xi32> to vector<128x1xf32>
    %get3A_333 = arith.constant 8 : index
    %get3A_334 = arith.constant 0 : index
    %get3A_335 = arith.constant 0 : index
    %get3A_336 = vector.load %arg3[%get3A_333, %get3A_334, %get3A_335] : memref<16x1024x128xf32, #tpu.memory_space<vmem>>, vector<1x1024x128xf32>
    %get3A_337 = vector.shape_cast %get3A_336 : vector<1x1024x128xf32> to vector<1024x128xf32>
    %dot_general3A_338 = arith.constant dense<0.000000e+00> : vector<128x128xf32>
    %dot_general3A_339 = tpu.matmul %get3A_1, %get3A_337, %dot_general3A_338 {dimension_numbers = #tpu.dot_dimension_numbers<[1], [0], [0], [1], [0, 0, 1, 1], [], []>, transpose_lhs_hint = false} : vector<128x1024xf32>, vector<1024x128xf32>, vector<128x128xf32> -> vector<128x128xf32>
    %get3A_340 = arith.constant 8 : index
    %get3A_341 = arith.constant 0 : index
    %get3A_342 = arith.constant 0 : index
    %get3A_343 = vector.load %arg4[%get3A_340, %get3A_341, %get3A_342] : memref<16x1x128xf32, #tpu.memory_space<vmem>>, vector<1x1x128xf32>
    %get3A_344 = vector.shape_cast %get3A_343 : vector<1x1x128xf32> to vector<1x128xf32>
    %add3A_345 = vector.broadcast %get3A_344 : vector<1x128xf32> to vector<128x128xf32>
    %add3A_346 = arith.addf %dot_general3A_339, %add3A_345 : vector<128x128xf32>
    %max3A_347 = arith.constant 0.000000e+00 : f32
    %max3A_348 = vector.broadcast %max3A_347 : f32 to vector<128x128xf32>
    %max3A_349 = arith.maximumf %add3A_346, %max3A_348 : vector<128x128xf32>
    %mul3A_350 = vector.broadcast %convert_element_type3A_332 : vector<128x1xf32> to vector<128x128xf32>
    %mul3A_351 = arith.mulf %max3A_349, %mul3A_350 : vector<128x128xf32>
    %get3A_352 = arith.constant 8 : index
    %get3A_353 = arith.constant 0 : index
    %get3A_354 = arith.constant 0 : index
    %get3A_355 = vector.load %arg5[%get3A_352, %get3A_353, %get3A_354] : memref<16x128x1024xf32, #tpu.memory_space<vmem>>, vector<1x128x1024xf32>
    %get3A_356 = vector.shape_cast %get3A_355 : vector<1x128x1024xf32> to vector<128x1024xf32>
    %dot_general3A_357 = arith.constant dense<0.000000e+00> : vector<128x1024xf32>
    %dot_general3A_358 = tpu.matmul %mul3A_351, %get3A_356, %dot_general3A_357 {dimension_numbers = #tpu.dot_dimension_numbers<[1], [0], [0], [1], [0, 0, 1, 1], [], []>, transpose_lhs_hint = false} : vector<128x128xf32>, vector<128x1024xf32>, vector<128x1024xf32> -> vector<128x1024xf32>
    %add3A_359 = arith.addf %add3A_327, %dot_general3A_358 : vector<128x1024xf32>
    %get3A_360 = arith.constant 8 : index
    %get3A_361 = arith.constant 0 : index
    %get3A_362 = arith.constant 0 : index
    %get3A_363 = vector.load %arg6[%get3A_360, %get3A_361, %get3A_362] : memref<16x1x1024xf32, #tpu.memory_space<vmem>>, vector<1x1x1024xf32>
    %get3A_364 = vector.shape_cast %get3A_363 : vector<1x1x1024xf32> to vector<1x1024xf32>
    %mul3A_365 = vector.broadcast %convert_element_type3A_332 : vector<128x1xf32> to vector<128x1024xf32>
    %mul3A_366 = vector.broadcast %get3A_364 : vector<1x1024xf32> to vector<128x1024xf32>
    %mul3A_367 = arith.mulf %mul3A_365, %mul3A_366 : vector<128x1024xf32>
    %add3A_368 = arith.addf %add3A_359, %mul3A_367 : vector<128x1024xf32>
    %eq3A_369 = arith.constant 9 : i32
    %eq3A_370 = vector.broadcast %eq3A_369 : i32 to vector<128x1xi32>
    %eq3A_371 = arith.cmpi eq, %get3A_4, %eq3A_370 : vector<128x1xi32>
    %convert_element_type3A_372 = arith.extui %eq3A_371 : vector<128x1xi1> to vector<128x1xi32>
    %convert_element_type3A_373 = arith.sitofp %convert_element_type3A_372 : vector<128x1xi32> to vector<128x1xf32>
    %get3A_374 = arith.constant 9 : index
    %get3A_375 = arith.constant 0 : index
    %get3A_376 = arith.constant 0 : index
    %get3A_377 = vector.load %arg3[%get3A_374, %get3A_375, %get3A_376] : memref<16x1024x128xf32, #tpu.memory_space<vmem>>, vector<1x1024x128xf32>
    %get3A_378 = vector.shape_cast %get3A_377 : vector<1x1024x128xf32> to vector<1024x128xf32>
    %dot_general3A_379 = arith.constant dense<0.000000e+00> : vector<128x128xf32>
    %dot_general3A_380 = tpu.matmul %get3A_1, %get3A_378, %dot_general3A_379 {dimension_numbers = #tpu.dot_dimension_numbers<[1], [0], [0], [1], [0, 0, 1, 1], [], []>, transpose_lhs_hint = false} : vector<128x1024xf32>, vector<1024x128xf32>, vector<128x128xf32> -> vector<128x128xf32>
    %get3A_381 = arith.constant 9 : index
    %get3A_382 = arith.constant 0 : index
    %get3A_383 = arith.constant 0 : index
    %get3A_384 = vector.load %arg4[%get3A_381, %get3A_382, %get3A_383] : memref<16x1x128xf32, #tpu.memory_space<vmem>>, vector<1x1x128xf32>
    %get3A_385 = vector.shape_cast %get3A_384 : vector<1x1x128xf32> to vector<1x128xf32>
    %add3A_386 = vector.broadcast %get3A_385 : vector<1x128xf32> to vector<128x128xf32>
    %add3A_387 = arith.addf %dot_general3A_380, %add3A_386 : vector<128x128xf32>
    %max3A_388 = arith.constant 0.000000e+00 : f32
    %max3A_389 = vector.broadcast %max3A_388 : f32 to vector<128x128xf32>
    %max3A_390 = arith.maximumf %add3A_387, %max3A_389 : vector<128x128xf32>
    %mul3A_391 = vector.broadcast %convert_element_type3A_373 : vector<128x1xf32> to vector<128x128xf32>
    %mul3A_392 = arith.mulf %max3A_390, %mul3A_391 : vector<128x128xf32>
    %get3A_393 = arith.constant 9 : index
    %get3A_394 = arith.constant 0 : index
    %get3A_395 = arith.constant 0 : index
    %get3A_396 = vector.load %arg5[%get3A_393, %get3A_394, %get3A_395] : memref<16x128x1024xf32, #tpu.memory_space<vmem>>, vector<1x128x1024xf32>
    %get3A_397 = vector.shape_cast %get3A_396 : vector<1x128x1024xf32> to vector<128x1024xf32>
    %dot_general3A_398 = arith.constant dense<0.000000e+00> : vector<128x1024xf32>
    %dot_general3A_399 = tpu.matmul %mul3A_392, %get3A_397, %dot_general3A_398 {dimension_numbers = #tpu.dot_dimension_numbers<[1], [0], [0], [1], [0, 0, 1, 1], [], []>, transpose_lhs_hint = false} : vector<128x128xf32>, vector<128x1024xf32>, vector<128x1024xf32> -> vector<128x1024xf32>
    %add3A_400 = arith.addf %add3A_368, %dot_general3A_399 : vector<128x1024xf32>
    %get3A_401 = arith.constant 9 : index
    %get3A_402 = arith.constant 0 : index
    %get3A_403 = arith.constant 0 : index
    %get3A_404 = vector.load %arg6[%get3A_401, %get3A_402, %get3A_403] : memref<16x1x1024xf32, #tpu.memory_space<vmem>>, vector<1x1x1024xf32>
    %get3A_405 = vector.shape_cast %get3A_404 : vector<1x1x1024xf32> to vector<1x1024xf32>
    %mul3A_406 = vector.broadcast %convert_element_type3A_373 : vector<128x1xf32> to vector<128x1024xf32>
    %mul3A_407 = vector.broadcast %get3A_405 : vector<1x1024xf32> to vector<128x1024xf32>
    %mul3A_408 = arith.mulf %mul3A_406, %mul3A_407 : vector<128x1024xf32>
    %add3A_409 = arith.addf %add3A_400, %mul3A_408 : vector<128x1024xf32>
    %eq3A_410 = arith.constant 10 : i32
    %eq3A_411 = vector.broadcast %eq3A_410 : i32 to vector<128x1xi32>
    %eq3A_412 = arith.cmpi eq, %get3A_4, %eq3A_411 : vector<128x1xi32>
    %convert_element_type3A_413 = arith.extui %eq3A_412 : vector<128x1xi1> to vector<128x1xi32>
    %convert_element_type3A_414 = arith.sitofp %convert_element_type3A_413 : vector<128x1xi32> to vector<128x1xf32>
    %get3A_415 = arith.constant 10 : index
    %get3A_416 = arith.constant 0 : index
    %get3A_417 = arith.constant 0 : index
    %get3A_418 = vector.load %arg3[%get3A_415, %get3A_416, %get3A_417] : memref<16x1024x128xf32, #tpu.memory_space<vmem>>, vector<1x1024x128xf32>
    %get3A_419 = vector.shape_cast %get3A_418 : vector<1x1024x128xf32> to vector<1024x128xf32>
    %dot_general3A_420 = arith.constant dense<0.000000e+00> : vector<128x128xf32>
    %dot_general3A_421 = tpu.matmul %get3A_1, %get3A_419, %dot_general3A_420 {dimension_numbers = #tpu.dot_dimension_numbers<[1], [0], [0], [1], [0, 0, 1, 1], [], []>, transpose_lhs_hint = false} : vector<128x1024xf32>, vector<1024x128xf32>, vector<128x128xf32> -> vector<128x128xf32>
    %get3A_422 = arith.constant 10 : index
    %get3A_423 = arith.constant 0 : index
    %get3A_424 = arith.constant 0 : index
    %get3A_425 = vector.load %arg4[%get3A_422, %get3A_423, %get3A_424] : memref<16x1x128xf32, #tpu.memory_space<vmem>>, vector<1x1x128xf32>
    %get3A_426 = vector.shape_cast %get3A_425 : vector<1x1x128xf32> to vector<1x128xf32>
    %add3A_427 = vector.broadcast %get3A_426 : vector<1x128xf32> to vector<128x128xf32>
    %add3A_428 = arith.addf %dot_general3A_421, %add3A_427 : vector<128x128xf32>
    %max3A_429 = arith.constant 0.000000e+00 : f32
    %max3A_430 = vector.broadcast %max3A_429 : f32 to vector<128x128xf32>
    %max3A_431 = arith.maximumf %add3A_428, %max3A_430 : vector<128x128xf32>
    %mul3A_432 = vector.broadcast %convert_element_type3A_414 : vector<128x1xf32> to vector<128x128xf32>
    %mul3A_433 = arith.mulf %max3A_431, %mul3A_432 : vector<128x128xf32>
    %get3A_434 = arith.constant 10 : index
    %get3A_435 = arith.constant 0 : index
    %get3A_436 = arith.constant 0 : index
    %get3A_437 = vector.load %arg5[%get3A_434, %get3A_435, %get3A_436] : memref<16x128x1024xf32, #tpu.memory_space<vmem>>, vector<1x128x1024xf32>
    %get3A_438 = vector.shape_cast %get3A_437 : vector<1x128x1024xf32> to vector<128x1024xf32>
    %dot_general3A_439 = arith.constant dense<0.000000e+00> : vector<128x1024xf32>
    %dot_general3A_440 = tpu.matmul %mul3A_433, %get3A_438, %dot_general3A_439 {dimension_numbers = #tpu.dot_dimension_numbers<[1], [0], [0], [1], [0, 0, 1, 1], [], []>, transpose_lhs_hint = false} : vector<128x128xf32>, vector<128x1024xf32>, vector<128x1024xf32> -> vector<128x1024xf32>
    %add3A_441 = arith.addf %add3A_409, %dot_general3A_440 : vector<128x1024xf32>
    %get3A_442 = arith.constant 10 : index
    %get3A_443 = arith.constant 0 : index
    %get3A_444 = arith.constant 0 : index
    %get3A_445 = vector.load %arg6[%get3A_442, %get3A_443, %get3A_444] : memref<16x1x1024xf32, #tpu.memory_space<vmem>>, vector<1x1x1024xf32>
    %get3A_446 = vector.shape_cast %get3A_445 : vector<1x1x1024xf32> to vector<1x1024xf32>
    %mul3A_447 = vector.broadcast %convert_element_type3A_414 : vector<128x1xf32> to vector<128x1024xf32>
    %mul3A_448 = vector.broadcast %get3A_446 : vector<1x1024xf32> to vector<128x1024xf32>
    %mul3A_449 = arith.mulf %mul3A_447, %mul3A_448 : vector<128x1024xf32>
    %add3A_450 = arith.addf %add3A_441, %mul3A_449 : vector<128x1024xf32>
    %eq3A_451 = arith.constant 11 : i32
    %eq3A_452 = vector.broadcast %eq3A_451 : i32 to vector<128x1xi32>
    %eq3A_453 = arith.cmpi eq, %get3A_4, %eq3A_452 : vector<128x1xi32>
    %convert_element_type3A_454 = arith.extui %eq3A_453 : vector<128x1xi1> to vector<128x1xi32>
    %convert_element_type3A_455 = arith.sitofp %convert_element_type3A_454 : vector<128x1xi32> to vector<128x1xf32>
    %get3A_456 = arith.constant 11 : index
    %get3A_457 = arith.constant 0 : index
    %get3A_458 = arith.constant 0 : index
    %get3A_459 = vector.load %arg3[%get3A_456, %get3A_457, %get3A_458] : memref<16x1024x128xf32, #tpu.memory_space<vmem>>, vector<1x1024x128xf32>
    %get3A_460 = vector.shape_cast %get3A_459 : vector<1x1024x128xf32> to vector<1024x128xf32>
    %dot_general3A_461 = arith.constant dense<0.000000e+00> : vector<128x128xf32>
    %dot_general3A_462 = tpu.matmul %get3A_1, %get3A_460, %dot_general3A_461 {dimension_numbers = #tpu.dot_dimension_numbers<[1], [0], [0], [1], [0, 0, 1, 1], [], []>, transpose_lhs_hint = false} : vector<128x1024xf32>, vector<1024x128xf32>, vector<128x128xf32> -> vector<128x128xf32>
    %get3A_463 = arith.constant 11 : index
    %get3A_464 = arith.constant 0 : index
    %get3A_465 = arith.constant 0 : index
    %get3A_466 = vector.load %arg4[%get3A_463, %get3A_464, %get3A_465] : memref<16x1x128xf32, #tpu.memory_space<vmem>>, vector<1x1x128xf32>
    %get3A_467 = vector.shape_cast %get3A_466 : vector<1x1x128xf32> to vector<1x128xf32>
    %add3A_468 = vector.broadcast %get3A_467 : vector<1x128xf32> to vector<128x128xf32>
    %add3A_469 = arith.addf %dot_general3A_462, %add3A_468 : vector<128x128xf32>
    %max3A_470 = arith.constant 0.000000e+00 : f32
    %max3A_471 = vector.broadcast %max3A_470 : f32 to vector<128x128xf32>
    %max3A_472 = arith.maximumf %add3A_469, %max3A_471 : vector<128x128xf32>
    %mul3A_473 = vector.broadcast %convert_element_type3A_455 : vector<128x1xf32> to vector<128x128xf32>
    %mul3A_474 = arith.mulf %max3A_472, %mul3A_473 : vector<128x128xf32>
    %get3A_475 = arith.constant 11 : index
    %get3A_476 = arith.constant 0 : index
    %get3A_477 = arith.constant 0 : index
    %get3A_478 = vector.load %arg5[%get3A_475, %get3A_476, %get3A_477] : memref<16x128x1024xf32, #tpu.memory_space<vmem>>, vector<1x128x1024xf32>
    %get3A_479 = vector.shape_cast %get3A_478 : vector<1x128x1024xf32> to vector<128x1024xf32>
    %dot_general3A_480 = arith.constant dense<0.000000e+00> : vector<128x1024xf32>
    %dot_general3A_481 = tpu.matmul %mul3A_474, %get3A_479, %dot_general3A_480 {dimension_numbers = #tpu.dot_dimension_numbers<[1], [0], [0], [1], [0, 0, 1, 1], [], []>, transpose_lhs_hint = false} : vector<128x128xf32>, vector<128x1024xf32>, vector<128x1024xf32> -> vector<128x1024xf32>
    %add3A_482 = arith.addf %add3A_450, %dot_general3A_481 : vector<128x1024xf32>
    %get3A_483 = arith.constant 11 : index
    %get3A_484 = arith.constant 0 : index
    %get3A_485 = arith.constant 0 : index
    %get3A_486 = vector.load %arg6[%get3A_483, %get3A_484, %get3A_485] : memref<16x1x1024xf32, #tpu.memory_space<vmem>>, vector<1x1x1024xf32>
    %get3A_487 = vector.shape_cast %get3A_486 : vector<1x1x1024xf32> to vector<1x1024xf32>
    %mul3A_488 = vector.broadcast %convert_element_type3A_455 : vector<128x1xf32> to vector<128x1024xf32>
    %mul3A_489 = vector.broadcast %get3A_487 : vector<1x1024xf32> to vector<128x1024xf32>
    %mul3A_490 = arith.mulf %mul3A_488, %mul3A_489 : vector<128x1024xf32>
    %add3A_491 = arith.addf %add3A_482, %mul3A_490 : vector<128x1024xf32>
    %eq3A_492 = arith.constant 12 : i32
    %eq3A_493 = vector.broadcast %eq3A_492 : i32 to vector<128x1xi32>
    %eq3A_494 = arith.cmpi eq, %get3A_4, %eq3A_493 : vector<128x1xi32>
    %convert_element_type3A_495 = arith.extui %eq3A_494 : vector<128x1xi1> to vector<128x1xi32>
    %convert_element_type3A_496 = arith.sitofp %convert_element_type3A_495 : vector<128x1xi32> to vector<128x1xf32>
    %get3A_497 = arith.constant 12 : index
    %get3A_498 = arith.constant 0 : index
    %get3A_499 = arith.constant 0 : index
    %get3A_500 = vector.load %arg3[%get3A_497, %get3A_498, %get3A_499] : memref<16x1024x128xf32, #tpu.memory_space<vmem>>, vector<1x1024x128xf32>
    %get3A_501 = vector.shape_cast %get3A_500 : vector<1x1024x128xf32> to vector<1024x128xf32>
    %dot_general3A_502 = arith.constant dense<0.000000e+00> : vector<128x128xf32>
    %dot_general3A_503 = tpu.matmul %get3A_1, %get3A_501, %dot_general3A_502 {dimension_numbers = #tpu.dot_dimension_numbers<[1], [0], [0], [1], [0, 0, 1, 1], [], []>, transpose_lhs_hint = false} : vector<128x1024xf32>, vector<1024x128xf32>, vector<128x128xf32> -> vector<128x128xf32>
    %get3A_504 = arith.constant 12 : index
    %get3A_505 = arith.constant 0 : index
    %get3A_506 = arith.constant 0 : index
    %get3A_507 = vector.load %arg4[%get3A_504, %get3A_505, %get3A_506] : memref<16x1x128xf32, #tpu.memory_space<vmem>>, vector<1x1x128xf32>
    %get3A_508 = vector.shape_cast %get3A_507 : vector<1x1x128xf32> to vector<1x128xf32>
    %add3A_509 = vector.broadcast %get3A_508 : vector<1x128xf32> to vector<128x128xf32>
    %add3A_510 = arith.addf %dot_general3A_503, %add3A_509 : vector<128x128xf32>
    %max3A_511 = arith.constant 0.000000e+00 : f32
    %max3A_512 = vector.broadcast %max3A_511 : f32 to vector<128x128xf32>
    %max3A_513 = arith.maximumf %add3A_510, %max3A_512 : vector<128x128xf32>
    %mul3A_514 = vector.broadcast %convert_element_type3A_496 : vector<128x1xf32> to vector<128x128xf32>
    %mul3A_515 = arith.mulf %max3A_513, %mul3A_514 : vector<128x128xf32>
    %get3A_516 = arith.constant 12 : index
    %get3A_517 = arith.constant 0 : index
    %get3A_518 = arith.constant 0 : index
    %get3A_519 = vector.load %arg5[%get3A_516, %get3A_517, %get3A_518] : memref<16x128x1024xf32, #tpu.memory_space<vmem>>, vector<1x128x1024xf32>
    %get3A_520 = vector.shape_cast %get3A_519 : vector<1x128x1024xf32> to vector<128x1024xf32>
    %dot_general3A_521 = arith.constant dense<0.000000e+00> : vector<128x1024xf32>
    %dot_general3A_522 = tpu.matmul %mul3A_515, %get3A_520, %dot_general3A_521 {dimension_numbers = #tpu.dot_dimension_numbers<[1], [0], [0], [1], [0, 0, 1, 1], [], []>, transpose_lhs_hint = false} : vector<128x128xf32>, vector<128x1024xf32>, vector<128x1024xf32> -> vector<128x1024xf32>
    %add3A_523 = arith.addf %add3A_491, %dot_general3A_522 : vector<128x1024xf32>
    %get3A_524 = arith.constant 12 : index
    %get3A_525 = arith.constant 0 : index
    %get3A_526 = arith.constant 0 : index
    %get3A_527 = vector.load %arg6[%get3A_524, %get3A_525, %get3A_526] : memref<16x1x1024xf32, #tpu.memory_space<vmem>>, vector<1x1x1024xf32>
    %get3A_528 = vector.shape_cast %get3A_527 : vector<1x1x1024xf32> to vector<1x1024xf32>
    %mul3A_529 = vector.broadcast %convert_element_type3A_496 : vector<128x1xf32> to vector<128x1024xf32>
    %mul3A_530 = vector.broadcast %get3A_528 : vector<1x1024xf32> to vector<128x1024xf32>
    %mul3A_531 = arith.mulf %mul3A_529, %mul3A_530 : vector<128x1024xf32>
    %add3A_532 = arith.addf %add3A_523, %mul3A_531 : vector<128x1024xf32>
    %eq3A_533 = arith.constant 13 : i32
    %eq3A_534 = vector.broadcast %eq3A_533 : i32 to vector<128x1xi32>
    %eq3A_535 = arith.cmpi eq, %get3A_4, %eq3A_534 : vector<128x1xi32>
    %convert_element_type3A_536 = arith.extui %eq3A_535 : vector<128x1xi1> to vector<128x1xi32>
    %convert_element_type3A_537 = arith.sitofp %convert_element_type3A_536 : vector<128x1xi32> to vector<128x1xf32>
    %get3A_538 = arith.constant 13 : index
    %get3A_539 = arith.constant 0 : index
    %get3A_540 = arith.constant 0 : index
    %get3A_541 = vector.load %arg3[%get3A_538, %get3A_539, %get3A_540] : memref<16x1024x128xf32, #tpu.memory_space<vmem>>, vector<1x1024x128xf32>
    %get3A_542 = vector.shape_cast %get3A_541 : vector<1x1024x128xf32> to vector<1024x128xf32>
    %dot_general3A_543 = arith.constant dense<0.000000e+00> : vector<128x128xf32>
    %dot_general3A_544 = tpu.matmul %get3A_1, %get3A_542, %dot_general3A_543 {dimension_numbers = #tpu.dot_dimension_numbers<[1], [0], [0], [1], [0, 0, 1, 1], [], []>, transpose_lhs_hint = false} : vector<128x1024xf32>, vector<1024x128xf32>, vector<128x128xf32> -> vector<128x128xf32>
    %get3A_545 = arith.constant 13 : index
    %get3A_546 = arith.constant 0 : index
    %get3A_547 = arith.constant 0 : index
    %get3A_548 = vector.load %arg4[%get3A_545, %get3A_546, %get3A_547] : memref<16x1x128xf32, #tpu.memory_space<vmem>>, vector<1x1x128xf32>
    %get3A_549 = vector.shape_cast %get3A_548 : vector<1x1x128xf32> to vector<1x128xf32>
    %add3A_550 = vector.broadcast %get3A_549 : vector<1x128xf32> to vector<128x128xf32>
    %add3A_551 = arith.addf %dot_general3A_544, %add3A_550 : vector<128x128xf32>
    %max3A_552 = arith.constant 0.000000e+00 : f32
    %max3A_553 = vector.broadcast %max3A_552 : f32 to vector<128x128xf32>
    %max3A_554 = arith.maximumf %add3A_551, %max3A_553 : vector<128x128xf32>
    %mul3A_555 = vector.broadcast %convert_element_type3A_537 : vector<128x1xf32> to vector<128x128xf32>
    %mul3A_556 = arith.mulf %max3A_554, %mul3A_555 : vector<128x128xf32>
    %get3A_557 = arith.constant 13 : index
    %get3A_558 = arith.constant 0 : index
    %get3A_559 = arith.constant 0 : index
    %get3A_560 = vector.load %arg5[%get3A_557, %get3A_558, %get3A_559] : memref<16x128x1024xf32, #tpu.memory_space<vmem>>, vector<1x128x1024xf32>
    %get3A_561 = vector.shape_cast %get3A_560 : vector<1x128x1024xf32> to vector<128x1024xf32>
    %dot_general3A_562 = arith.constant dense<0.000000e+00> : vector<128x1024xf32>
    %dot_general3A_563 = tpu.matmul %mul3A_556, %get3A_561, %dot_general3A_562 {dimension_numbers = #tpu.dot_dimension_numbers<[1], [0], [0], [1], [0, 0, 1, 1], [], []>, transpose_lhs_hint = false} : vector<128x128xf32>, vector<128x1024xf32>, vector<128x1024xf32> -> vector<128x1024xf32>
    %add3A_564 = arith.addf %add3A_532, %dot_general3A_563 : vector<128x1024xf32>
    %get3A_565 = arith.constant 13 : index
    %get3A_566 = arith.constant 0 : index
    %get3A_567 = arith.constant 0 : index
    %get3A_568 = vector.load %arg6[%get3A_565, %get3A_566, %get3A_567] : memref<16x1x1024xf32, #tpu.memory_space<vmem>>, vector<1x1x1024xf32>
    %get3A_569 = vector.shape_cast %get3A_568 : vector<1x1x1024xf32> to vector<1x1024xf32>
    %mul3A_570 = vector.broadcast %convert_element_type3A_537 : vector<128x1xf32> to vector<128x1024xf32>
    %mul3A_571 = vector.broadcast %get3A_569 : vector<1x1024xf32> to vector<128x1024xf32>
    %mul3A_572 = arith.mulf %mul3A_570, %mul3A_571 : vector<128x1024xf32>
    %add3A_573 = arith.addf %add3A_564, %mul3A_572 : vector<128x1024xf32>
    %eq3A_574 = arith.constant 14 : i32
    %eq3A_575 = vector.broadcast %eq3A_574 : i32 to vector<128x1xi32>
    %eq3A_576 = arith.cmpi eq, %get3A_4, %eq3A_575 : vector<128x1xi32>
    %convert_element_type3A_577 = arith.extui %eq3A_576 : vector<128x1xi1> to vector<128x1xi32>
    %convert_element_type3A_578 = arith.sitofp %convert_element_type3A_577 : vector<128x1xi32> to vector<128x1xf32>
    %get3A_579 = arith.constant 14 : index
    %get3A_580 = arith.constant 0 : index
    %get3A_581 = arith.constant 0 : index
    %get3A_582 = vector.load %arg3[%get3A_579, %get3A_580, %get3A_581] : memref<16x1024x128xf32, #tpu.memory_space<vmem>>, vector<1x1024x128xf32>
    %get3A_583 = vector.shape_cast %get3A_582 : vector<1x1024x128xf32> to vector<1024x128xf32>
    %dot_general3A_584 = arith.constant dense<0.000000e+00> : vector<128x128xf32>
    %dot_general3A_585 = tpu.matmul %get3A_1, %get3A_583, %dot_general3A_584 {dimension_numbers = #tpu.dot_dimension_numbers<[1], [0], [0], [1], [0, 0, 1, 1], [], []>, transpose_lhs_hint = false} : vector<128x1024xf32>, vector<1024x128xf32>, vector<128x128xf32> -> vector<128x128xf32>
    %get3A_586 = arith.constant 14 : index
    %get3A_587 = arith.constant 0 : index
    %get3A_588 = arith.constant 0 : index
    %get3A_589 = vector.load %arg4[%get3A_586, %get3A_587, %get3A_588] : memref<16x1x128xf32, #tpu.memory_space<vmem>>, vector<1x1x128xf32>
    %get3A_590 = vector.shape_cast %get3A_589 : vector<1x1x128xf32> to vector<1x128xf32>
    %add3A_591 = vector.broadcast %get3A_590 : vector<1x128xf32> to vector<128x128xf32>
    %add3A_592 = arith.addf %dot_general3A_585, %add3A_591 : vector<128x128xf32>
    %max3A_593 = arith.constant 0.000000e+00 : f32
    %max3A_594 = vector.broadcast %max3A_593 : f32 to vector<128x128xf32>
    %max3A_595 = arith.maximumf %add3A_592, %max3A_594 : vector<128x128xf32>
    %mul3A_596 = vector.broadcast %convert_element_type3A_578 : vector<128x1xf32> to vector<128x128xf32>
    %mul3A_597 = arith.mulf %max3A_595, %mul3A_596 : vector<128x128xf32>
    %get3A_598 = arith.constant 14 : index
    %get3A_599 = arith.constant 0 : index
    %get3A_600 = arith.constant 0 : index
    %get3A_601 = vector.load %arg5[%get3A_598, %get3A_599, %get3A_600] : memref<16x128x1024xf32, #tpu.memory_space<vmem>>, vector<1x128x1024xf32>
    %get3A_602 = vector.shape_cast %get3A_601 : vector<1x128x1024xf32> to vector<128x1024xf32>
    %dot_general3A_603 = arith.constant dense<0.000000e+00> : vector<128x1024xf32>
    %dot_general3A_604 = tpu.matmul %mul3A_597, %get3A_602, %dot_general3A_603 {dimension_numbers = #tpu.dot_dimension_numbers<[1], [0], [0], [1], [0, 0, 1, 1], [], []>, transpose_lhs_hint = false} : vector<128x128xf32>, vector<128x1024xf32>, vector<128x1024xf32> -> vector<128x1024xf32>
    %add3A_605 = arith.addf %add3A_573, %dot_general3A_604 : vector<128x1024xf32>
    %get3A_606 = arith.constant 14 : index
    %get3A_607 = arith.constant 0 : index
    %get3A_608 = arith.constant 0 : index
    %get3A_609 = vector.load %arg6[%get3A_606, %get3A_607, %get3A_608] : memref<16x1x1024xf32, #tpu.memory_space<vmem>>, vector<1x1x1024xf32>
    %get3A_610 = vector.shape_cast %get3A_609 : vector<1x1x1024xf32> to vector<1x1024xf32>
    %mul3A_611 = vector.broadcast %convert_element_type3A_578 : vector<128x1xf32> to vector<128x1024xf32>
    %mul3A_612 = vector.broadcast %get3A_610 : vector<1x1024xf32> to vector<128x1024xf32>
    %mul3A_613 = arith.mulf %mul3A_611, %mul3A_612 : vector<128x1024xf32>
    %add3A_614 = arith.addf %add3A_605, %mul3A_613 : vector<128x1024xf32>
    %eq3A_615 = arith.constant 15 : i32
    %eq3A_616 = vector.broadcast %eq3A_615 : i32 to vector<128x1xi32>
    %eq3A_617 = arith.cmpi eq, %get3A_4, %eq3A_616 : vector<128x1xi32>
    %convert_element_type3A_618 = arith.extui %eq3A_617 : vector<128x1xi1> to vector<128x1xi32>
    %convert_element_type3A_619 = arith.sitofp %convert_element_type3A_618 : vector<128x1xi32> to vector<128x1xf32>
    %get3A_620 = arith.constant 15 : index
    %get3A_621 = arith.constant 0 : index
    %get3A_622 = arith.constant 0 : index
    %get3A_623 = vector.load %arg3[%get3A_620, %get3A_621, %get3A_622] : memref<16x1024x128xf32, #tpu.memory_space<vmem>>, vector<1x1024x128xf32>
    %get3A_624 = vector.shape_cast %get3A_623 : vector<1x1024x128xf32> to vector<1024x128xf32>
    %dot_general3A_625 = arith.constant dense<0.000000e+00> : vector<128x128xf32>
    %dot_general3A_626 = tpu.matmul %get3A_1, %get3A_624, %dot_general3A_625 {dimension_numbers = #tpu.dot_dimension_numbers<[1], [0], [0], [1], [0, 0, 1, 1], [], []>, transpose_lhs_hint = false} : vector<128x1024xf32>, vector<1024x128xf32>, vector<128x128xf32> -> vector<128x128xf32>
    %get3A_627 = arith.constant 15 : index
    %get3A_628 = arith.constant 0 : index
    %get3A_629 = arith.constant 0 : index
    %get3A_630 = vector.load %arg4[%get3A_627, %get3A_628, %get3A_629] : memref<16x1x128xf32, #tpu.memory_space<vmem>>, vector<1x1x128xf32>
    %get3A_631 = vector.shape_cast %get3A_630 : vector<1x1x128xf32> to vector<1x128xf32>
    %add3A_632 = vector.broadcast %get3A_631 : vector<1x128xf32> to vector<128x128xf32>
    %add3A_633 = arith.addf %dot_general3A_626, %add3A_632 : vector<128x128xf32>
    %max3A_634 = arith.constant 0.000000e+00 : f32
    %max3A_635 = vector.broadcast %max3A_634 : f32 to vector<128x128xf32>
    %max3A_636 = arith.maximumf %add3A_633, %max3A_635 : vector<128x128xf32>
    %mul3A_637 = vector.broadcast %convert_element_type3A_619 : vector<128x1xf32> to vector<128x128xf32>
    %mul3A_638 = arith.mulf %max3A_636, %mul3A_637 : vector<128x128xf32>
    %get3A_639 = arith.constant 15 : index
    %get3A_640 = arith.constant 0 : index
    %get3A_641 = arith.constant 0 : index
    %get3A_642 = vector.load %arg5[%get3A_639, %get3A_640, %get3A_641] : memref<16x128x1024xf32, #tpu.memory_space<vmem>>, vector<1x128x1024xf32>
    %get3A_643 = vector.shape_cast %get3A_642 : vector<1x128x1024xf32> to vector<128x1024xf32>
    %dot_general3A_644 = arith.constant dense<0.000000e+00> : vector<128x1024xf32>
    %dot_general3A_645 = tpu.matmul %mul3A_638, %get3A_643, %dot_general3A_644 {dimension_numbers = #tpu.dot_dimension_numbers<[1], [0], [0], [1], [0, 0, 1, 1], [], []>, transpose_lhs_hint = false} : vector<128x128xf32>, vector<128x1024xf32>, vector<128x1024xf32> -> vector<128x1024xf32>
    %add3A_646 = arith.addf %add3A_614, %dot_general3A_645 : vector<128x1024xf32>
    %get3A_647 = arith.constant 15 : index
    %get3A_648 = arith.constant 0 : index
    %get3A_649 = arith.constant 0 : index
    %get3A_650 = vector.load %arg6[%get3A_647, %get3A_648, %get3A_649] : memref<16x1x1024xf32, #tpu.memory_space<vmem>>, vector<1x1x1024xf32>
    %get3A_651 = vector.shape_cast %get3A_650 : vector<1x1x1024xf32> to vector<1x1024xf32>
    %mul3A_652 = vector.broadcast %convert_element_type3A_619 : vector<128x1xf32> to vector<128x1024xf32>
    %mul3A_653 = vector.broadcast %get3A_651 : vector<1x1024xf32> to vector<128x1024xf32>
    %mul3A_654 = arith.mulf %mul3A_652, %mul3A_653 : vector<128x1024xf32>
    %add3A_655 = arith.addf %add3A_646, %mul3A_654 : vector<128x1024xf32>
    %add3A_656 = arith.addf %get3A_1, %add3A_655 : vector<128x1024xf32>
    %get3A_657 = arith.constant 0 : index
    %get3A_658 = arith.constant 0 : index
    %get3A_659 = vector.load %arg7[%get3A_657, %get3A_658] : memref<1024x1000xf32, #tpu.memory_space<vmem>>, vector<1024x1000xf32>
    %dot_general3A_660 = arith.constant dense<0.000000e+00> : vector<128x1000xf32>
    %dot_general3A_661 = tpu.matmul %add3A_656, %get3A_659, %dot_general3A_660 {dimension_numbers = #tpu.dot_dimension_numbers<[1], [0], [0], [1], [0, 0, 1, 1], [], []>, transpose_lhs_hint = false} : vector<128x1024xf32>, vector<1024x1000xf32>, vector<128x1000xf32> -> vector<128x1000xf32>
    %get3A_662 = arith.constant 0 : index
    %get3A_663 = arith.constant 0 : index
    %get3A_664 = vector.load %arg8[%get3A_662, %get3A_663] : memref<1x1000xf32, #tpu.memory_space<vmem>>, vector<1x1000xf32>
    %add3A_665 = vector.broadcast %get3A_664 : vector<1x1000xf32> to vector<128x1000xf32>
    %add3A_666 = arith.addf %dot_general3A_661, %add3A_665 : vector<128x1000xf32>
    %swap3A = arith.constant 0 : index
    %swap3A_667 = arith.constant 0 : index
    %swap3A_668 = vector.load %arg9[%swap3A, %swap3A_667] : memref<128x1000xf32, #tpu.memory_space<vmem>>, vector<128x1000xf32>
    tpu.vector_store %arg9[%swap3A, %swap3A_667], %add3A_666 {strides = array<i32>} : memref<128x1000xf32, #tpu.memory_space<vmem>>, vector<128x1000xf32>,
    return
  }
  func.func @transform_0(%arg0: i32) -> (i32, i32) {
    %c0_i32 = arith.constant 0 : i32
    %c0_i32_0 = arith.constant 0 : i32
    %c0_i32_1 = arith.constant 0 : i32
    return %c0_i32, %c0_i32_0 : i32, i32
  }
  func.func @transform_1(%arg0: i32) -> (i32, i32) {
    %c0_i32 = arith.constant 0 : i32
    %c0_i32_0 = arith.constant 0 : i32
    %c0_i32_1 = arith.constant 0 : i32
    return %c0_i32, %c0_i32_0 : i32, i32
  }
  func.func @transform_2(%arg0: i32) -> (i32, i32, i32) {
    %c0_i32 = arith.constant 0 : i32
    %c0_i32_0 = arith.constant 0 : i32
    %c0_i32_1 = arith.constant 0 : i32
    %c0_i32_2 = arith.constant 0 : i32
    return %c0_i32, %c0_i32_0, %c0_i32_1 : i32, i32, i32
  }
  func.func @transform_3(%arg0: i32) -> (i32, i32, i32) {
    %c0_i32 = arith.constant 0 : i32
    %c0_i32_0 = arith.constant 0 : i32
    %c0_i32_1 = arith.constant 0 : i32
    %c0_i32_2 = arith.constant 0 : i32
    return %c0_i32, %c0_i32_0, %c0_i32_1 : i32, i32, i32
  }
  func.func @transform_4(%arg0: i32) -> (i32, i32, i32) {
    %c0_i32 = arith.constant 0 : i32
    %c0_i32_0 = arith.constant 0 : i32
    %c0_i32_1 = arith.constant 0 : i32
    %c0_i32_2 = arith.constant 0 : i32
    return %c0_i32, %c0_i32_0, %c0_i32_1 : i32, i32, i32
  }
  func.func @transform_5(%arg0: i32) -> (i32, i32, i32) {
    %c0_i32 = arith.constant 0 : i32
    %c0_i32_0 = arith.constant 0 : i32
    %c0_i32_1 = arith.constant 0 : i32
    %c0_i32_2 = arith.constant 0 : i32
    return %c0_i32, %c0_i32_0, %c0_i32_1 : i32, i32, i32
  }
  func.func @transform_6(%arg0: i32) -> (i32, i32) {
    %c0_i32 = arith.constant 0 : i32
    %c0_i32_0 = arith.constant 0 : i32
    %c0_i32_1 = arith.constant 0 : i32
    return %c0_i32, %c0_i32_0 : i32, i32
  }
  func.func @transform_7(%arg0: i32) -> (i32, i32) {
    %c0_i32 = arith.constant 0 : i32
    %c0_i32_0 = arith.constant 0 : i32
    %c0_i32_1 = arith.constant 0 : i32
    return %c0_i32, %c0_i32_0 : i32, i32
  }
  func.func @transform_8(%arg0: i32) -> (i32, i32) {
    %c0_i32 = arith.constant 0 : i32
    %c0_i32_0 = arith.constant 0 : i32
    %c0_i32_1 = arith.constant 0 : i32
    return %c0_i32, %c0_i32_0 : i32, i32
  }
}

</mosaic_0001>

<sc_bundles>
// kernel: sparse-core-data-format-call.cloned.1.call-start
scs
called_computation_lowered:
.L_overlay_start_0:
0x0: {  	s2 =	sld [smem:$0x3FD9]  }
0x1: {  	s3 =	sld [smem:$0x3FFE];
	_ =	sdelay $0x1  }
0x2: {  	s1 =	srdreg.scid  }
0x3: {  	s0 =	sand.u32 $0x1, s1  }
0x4: {  	s18 =	sshll.u32 s0, $0xA;
	s2 =	sadd.s32 s3, s2  }
0x5: {  	s2 =	sadd.s32 s2, s18  }
0x6: {  	[smem:$0x3FC0] =	sst s2  }
0x7: {  	_ = 	snop  }
0x8: {  	s2 =	sld [smem:$0x3FC9];
	(tm) =	ssettm $0x1  }
0x9: {  	s19 =	sld [smem:$0x3FFB];
	_ =	sdelay $0x3  }
0xa: {  	_ =	strace s19  }
0xb: {  	s3 =	sld [smem:$0x3FFC];
	_ =	sdelay $0x3  }
0xc: {  	_ =	strace s3  }
0xd: {  	s3 =	sld [smem:$0x3FFD];
	_ =	sdelay $0x3  }
0xe: {  	_ =	strace s3  }
0xf: {  	_ =	strace $0x8FFFFFFF  }
0x10: {  	s20 =	sld [smem:$0x3FDB];
	_ =	sdelay $0x1  }
0x11: {  	s4 =	simm.s32 $_scs_section_size  }
0x12: {  	s5 =	simm.s32 $_size__tile_overlayer_lowered;
	s6 =	simm.s32 $_tile_overlayer_lowered  }
0x13: {  	s23 =	simm.s32 $0x1BFF;
	s22 =	sshll.u32 s6, $0x1;
	s3 =	sadd.s32 s4, s20  }
0x14: {  	s7 =	simm.s32 $0x0;
	s21 =	sshll.u32 s5, $0x1;
	s5 =	sadd.s32 s22, s3  }
0x15: {  	[timem:s7], [sflag:s23] =	dma.local [hbm:s5], s21  }
0x16: {  	_ =	swait.ge [sflag:s23], s21  }
0x17: {  	s4 =	ssub.s32 $0x0, s21;
	[sflag:s23] =	ssyncset.done $0x0  }
0x18: {  	[sflag:s23] =	ssyncadd.s32 s4;
	_ =	sdelay $0x1  }
0x19: {  	s24 =	simm.s32 $0x1B8B  }
0x1a: {  	_ =	swait.ge [sflag:s24], $0x1  }
0x1b: {  	[sflag:s24] =	ssyncset.done $0x0  }
0x1c: {  	s26 =	simm.s32 $0x1B8E;
	s25 =	sld [smem:$0x3FFE];
	[sflag:s24] =	ssyncadd.s32 $0xFFFFFFFF  }
0x1d: {  	s27 =	simm.s32 $execute0_lowered;
	[smem:$0x3FD2] =	sst s26  }
0x1e: {  	s5 =	sshll.u32 s27, $0x1;
	_ =	strace $0x80000046;
	[dreg:$0x1] =	wrdreg $0xFFFFFFFF  }
0x1f: {  	s28 =	simm.s32 $_size_execute0_lowered;
	s3 =	sadd.s32 s3, s5;
	[dreg:$0x0] =	wrdreg $0x0  }
0x20: {  	s5 =	sshll.u32 s28, $0x1;
	[dreg:$0x2] =	wrdreg s3  }
0x21: {  	[dreg:$0x3] =	wrdreg s5  }
0x22: {  	[dreg:$0x4] =	wrdreg $0xC0  }
0x23: {  	_ =	task [dreg:s7], $0x5FFFF  }
0x24: {  	[dreg:$0x1] =	wrdreg $0xFFFFFFFF  }
0x25: {  	[dreg:$0x0] =	wrdreg $0x60  }
0x26: {  	[dreg:$0x2] =	wrdreg s2  }
0x27: {  	[dreg:$0x3] =	wrdreg s25  }
0x28: {  	[dreg:$0x4] =	wrdreg $0x9  }
0x29: {  	_ =	task.clear_ibuf [dreg:s7], $0x5FFFF;
	_ =	strace $0x90000046  }
0x2a: {  	s29 =	simm.s32 $0x9;
	_ =	strace $0x80000048  }
0x2b: {  	_ =	swait.ge [sflag:s29], $0x1  }
0x2c: {  	[sflag:s29] =	ssyncadd.s32 $0xFFFFFFFF  }
0x2d: {  	_ =	strace $0x90000048  }
0x2e: {  	_ =	sfence  }
0x2f: {  	s30 =	sld [smem:$0x0];
	_ =	sdelay $0x2  }
0x30: {  	s31 =	sshll.u32 s1, $0xD;
	s1 =	sshrl.u32 s1, $0x2  }
0x31: {  	s3 =	sand.u32 $0x4000, s31;
	s1 =	sadd.s32 s1, s30  }
0x32: {  	s0 =	sor.u32 s3, s0;
	s1 =	sshll.u32 s1, $0x11  }
0x33: {  	s0 =	sor.u32 s1, s0  }
0x34: {  	s0 =	sadd.s32 $0x8F2B, s0  }
0x35: {  	[sflag:s0] =	ssyncadd.remote.s32 $0x1  }
0x36: {  	_ =	sfence.sel $0xFFFF  }
0x37: {  	[dreg:$0x0] =	wrdreg $0xFFFFFFFF;
	(pc) =	sbr.abs _section_cstart, $3  }
0x38: {  	[dreg:$0x1] =	wrdreg $0xFFFFFFFF  }
0x39: {  	_ =	task.clear_ibuf [dreg:s7], $0x2FFFF;
	_ =	strace $0x9FFFFFFF  }
0x3a: {  	(tm) =	ssettm $0x7FFFFFFF  }
0x3b: {  	_ =	shalt  }
tec
execute0_lowered:
.L_overlay_start_1:
0x0: {  	(tag) =	ssettag $0x1  }
0x1: {  	s2 =	rddreg [dreg:$0x0]  }
0x2: {  	s1 =	rddreg [dreg:$0x1]  }
0x3: {  	s3 =	srdreg.scid;
	s0 =	rddreg [dreg:$0x2]  }
0x4: {  	_ =	strace $0x80000047;
	s5 =	simm.s32 $0x1;
	s8 =	simm.s32 $0x2  }
0x5: {  	s14 =	simm.s32 $0x0;
	p0 =	por $0x0, $0x0;
	s15 =	simm.s32 $0x0  }
0x6: {  	s17 =	simm.s32 $0x0;
	s16 =	simm.s32 $0x0;
	s10 =	simm.s32 $0x0  }
0x7: {  	s11 =	simm.s32 $0x0;
	s13 =	stileid.u32;
	s3 =	sand.u32 $0x1, s3  }
.Ltmp0:
0x8: {  	s4 =	sadd.s32 $0x1200, s1;
	s6 =	ssub.s32 $0x8, s3;
	(pc) =	sbr.rel .LBB1_1-.Ltmp0, $4  }
0x9: {  	s1 =	stileid.u32;
	[sflag:s5] =	ssyncpa.u1 $0x0;
	s7 =	sshrl.u32 s6, $0x1  }
0xa: {  	[sflag:s8] =	ssyncpa.u1 $0x0;
	s8 =	simm.s32 $0x2000;
	s9 =	sadd.s32 s3, s7  }
0xb: {  	s12 =	smov.u32 s3;
	s6 =	ssub.s32 s6, s7;
	s31 =	sshll.u32 s9, $0x5  }
0xc: {  	s6 =	sshll.u32 s6, $0x5;
	s9 =	simm.s32 $0x0;
	s7 =	ssub.s32 $0x102, s31  }
.LBB1_4:
0xd: {  	_ =	sdelay $0x3  }
0xe: {  	[tilespmem:v0+s20+$0xFFFFFFA0 ss:$0x1] =	vst.idx.msk $0xffff, v6  }
0xf: {  	v56 =	vld.idx.msk [tilespmem:v1+s19+$0x30 ss:$0x1], $0xffff;
	[tilespmem:v0+s20+$0xFFFFFFB0 ss:$0x1] =	vst.idx.msk $0xffff, v4  }
0x10: {  	v57 =	vld.idx.msk [tilespmem:v1+s19+$0xFFFFFFC0 ss:$0x1], $0xffff;
	[tilespmem:v0+s20+$0xFFFFFFC0 ss:$0x1] =	vst.idx.msk $0xffff, v2  }
0x11: {  	v58 =	vld.idx.msk [tilespmem:v1+s19+$0xFFFFFFD0 ss:$0x1], $0xffff;
	[tilespmem:v0+s20+$0xFFFFFFD0 ss:$0x1] =	vst.idx.msk $0xffff, v3  }
0x12: {  	v59 =	vld.idx.msk [tilespmem:v1+s19+$0xFFFFFFE0 ss:$0x1], $0xffff;
	[tilespmem:v0+s20+$0xFFFFFFE0 ss:$0x1] =	vst.idx.msk $0xffff, v5  }
0x13: {  	v60 =	vld.idx.msk [tilespmem:v1+s19+$0xFFFFFFF0 ss:$0x1], $0xffff;
	[tilespmem:v0+s20+$0xFFFFFFF0 ss:$0x1] =	vst.idx.msk $0xffff, v7  }
0x14: {  	v61 =	vld.idx.msk [tilespmem:v1+s19+$0x0 ss:$0x1], $0xffff;
	[tilespmem:v0+s19+$0x0 ss:$0x1] =	vst.idx.msk $0xffff, v56  }
0x15: {  	v62 =	vld.idx.msk [tilespmem:v1+s19+$0x10 ss:$0x1], $0xffff;
	[tilespmem:v0+s19+$0xFFFFFF90 ss:$0x1] =	vst.idx.msk $0xffff, v57  }
0x16: {  	v63 =	vld.idx.msk [tilespmem:v1+s19+$0x20 ss:$0x1], $0xffff;
	s17 =	sshll.u32 s17, $0x7;
	[tilespmem:v0+s19+$0xFFFFFFA0 ss:$0x1] =	vst.idx.msk $0xffff, v58  }
0x17: {  	s28 =	sand.u32 $0x78, s14;
	s16 =	sshll.u32 s16, $0x13;
	s15 =	sshll.u32 s15, $0xA;
	[tilespmem:v0+s19+$0xFFFFFFB0 ss:$0x1] =	vst.idx.msk $0xffff, v59  }
0x18: {  	s29 =	sand.u32 $0x380, s14;
	s17 =	sand.u32 $0x380, s17;
	s16 =	sadd.s32 s4, s16;
	[tilespmem:v0+s19+$0xFFFFFFC0 ss:$0x1] =	vst.idx.msk $0xffff, v60  }
0x19: {  	s30 =	sand.u32 $0x7, s14;
	s17 =	sor.u32 s17, s28;
	s15 =	sadd.s32 s15, s16;
	[tilespmem:v0+s19+$0xFFFFFFD0 ss:$0x1] =	vst.idx.msk $0xffff, v61  }
0x1a: {  	s14 =	sshll.u32 s30, $0x12;
	s31 =	sshrl.u32 s17, $0x3;
	s15 =	sadd.s32 s29, s15;
	[tilespmem:v0+s19+$0xFFFFFFE0 ss:$0x1] =	vst.idx.msk $0xffff, v62  }
0x1b: {  	s14 =	sor.u32 $0x80, s14;
	s15 =	sadd.s32 s31, s15;
	[tilespmem:v0+s19+$0xFFFFFFF0 ss:$0x1] =	vst.idx.msk $0xffff, v63  }
0x1c: {  	[hbm4b:s15+s14] =	stream.strided.scatter [tilespmem:s18], [sflag:$0x2], $0x4000, s8, s14, $0x38;
	[tilespmem:$0x10000] =	vst v63  }
.LBB1_5:
0x1d: {  	s18 =	sadd.s32 $0x80, s10  }
0x1e: {  	s14 =	sadd.s32 $0x80, s11;
	s19 =	smov.u32 s11;
	p2 =	sgt.s32 s18, $0x3FF  }
0x1f: {  	s19 =	smov.u32 @p2 s14  }
0x20: {  	s20 =	smov.u32 s12;
	s14 =	sadd.s32 $0x2, s12;
	p3 =	sgt.s32 s19, $0x1FF  }
0x21: {  	s20 =	smov.u32 @p3 s14  }
0x22: {  	s21 =	smov.u32 s13;
	s14 =	sadd.s32 $0x10, s13;
	p4 =	sgt.s32 s20, $0x7  }
0x23: {  	p1 =	slt.u32 s9, $0x2;
	s21 =	smov.u32 @p4 s14  }
0x24: {  	s9 =	sadd.s32 $0x1, s9;
	s18 =	simm.s32 @p2 $0x0;
	p2 =	sgt.s32 s21, $0xF  }
0x25: {  	s22 =	simm.s32 @!p1 $0x2;
	s21 =	smov.u32 @p2 s1;
	p2 =	sne.s32 s9, s7  }
.Ltmp1:
0x26: {  	s15 =	smov.u32 s11;
	_ =	swait.ge @!p1 [sflag:s22], $0x4000;
	(pc) =	sbr.rel @!p2 .LBB1_6-.Ltmp1, $4  }
0x27: {  	s17 =	smov.u32 s12;
	s16 =	smov.u32 s13;
	[sflag:s22] =	ssyncset.done @!p1 $0x0  }
0x28: {  	p0 =	por !p0, !p0;
	s19 =	simm.s32 @p3 $0x0;
	[sflag:s22] =	ssyncadd.s32 @!p1 $0xFFFFC000  }
0x29: {  	s11 =	smov.u32 s19;
	s20 =	smov.u32 @p4 s3;
	s14 =	smov.u32 s10  }
0x2a: {  	s10 =	smov.u32 s18;
	s12 =	smov.u32 s20;
	s13 =	smov.u32 s21  }
.LBB1_1:
0x2b: {  	p1 =	sge.u32 s9, s6;
	s31 =	sadd.s32 $0xFFFFFFFF, s9  }
0x2c: {  	s18 =	sxor.u32 @!p1 $0xFFFFFFFF, s9;
	s19 =	sshll.u32 @!p1 s11, $0x7;
	s20 =	sand.u32 @!p1 $0x78, s10  }
0x2d: {  	s22 =	sshll.u32 @!p1 s12, $0x10;
	s18 =	sshll.u32 @!p1 s18, $0xE;
	s21 =	sand.u32 @!p1 $0x380, s19  }
0x2e: {  	s19 =	sand.u32 @!p1 $0xFC00, s19;
	s20 =	sor.u32 @!p1 s20, s21;
	s21 =	sshll.u32 @!p1 s13, $0x13  }
0x2f: {  	s18 =	sand.u32 @!p1 $0x4000, s18;
	s19 =	sadd.s32 @!p1 s10, s19;
	s21 =	sadd.s32 @!p1 s2, s21  }
0x30: {  	s20 =	sshrl.u32 @!p1 s20, $0x3;
	s21 =	sadd.s32 @!p1 s22, s21;
	s22 =	sand.u32 @!p1 $0x7, s10  }
0x31: {  	s19 =	sand.u32 @!p1 $0xFF80, s19;
	s20 =	sadd.s32 @!p1 s20, s21;
	s21 =	sshll.u32 @!p1 s22, $0x12  }
0x32: {  	s19 =	sadd.s32 @!p1 s19, s20;
	s20 =	sor.u32 @!p1 $0x400, s21;
	s21 =	simm.s32 @!p1 $0x2000  }
0x33: {  	[tilespmem:s18], [sflag:$0x1] =	stream.strided.gather @!p1 [hbm4b:s19+s20], $0x4000, s21, s20, $0x38;
	[tilespmem:$0x10000] =	vst v63  }
0x34: {  	p1 =	sge.u32 s31, s6  }
.Ltmp2:
0x35: {  	_ = 	snop;
	(pc) =	sbr.rel @p1 .LBB1_5-.Ltmp2, $1  }
0x36: {  	_ =	sdelay $0x3  }
0x37: {  	s18 =	simm.s32 $0x1  }
0x38: {  	s18 =	simm.s32 @!p0 $0x0  }
0x39: {  	s18 =	sshll.u32 s18, $0xE  }
0x3a: {  	s19 =	sor.u32 $0x40, s18  }
0x3b: {  	v1 =	vmov s19;
	_ =	sdelay $0x1  }
0x3c: {  	_ =	swait.ge [sflag:s5], $0x4000  }
0x3d: {  	[sflag:s5] =	ssyncset.done $0x0  }
0x3e: {  	s20 =	simm.s32 $0x0;
	[sflag:s5] =	ssyncadd.s32 $0xFFFFC000  }
0x3f: {  	s18 =	sor.u32 $0x8070, s18;
	v7 =	vld.idx.msk [tilespmem:v1+s20+$0x30 ss:$0x1], $0xffff  }
0x40: {  	v0 =	vmov s18;
	v8 =	vld.idx.msk [tilespmem:v1+s20+$0xFFFFFFC0 ss:$0x1], $0xffff  }
0x41: {  	v6 =	vld.idx.msk [tilespmem:v1+s20+$0xFFFFFFD0 ss:$0x1], $0xffff  }
0x42: {  	v4 =	vld.idx.msk [tilespmem:v1+s20+$0xFFFFFFE0 ss:$0x1], $0xffff  }
0x43: {  	v2 =	vld.idx.msk [tilespmem:v1+s20+$0xFFFFFFF0 ss:$0x1], $0xffff  }
0x44: {  	s31 =	sshll.u32 s9, $0xE;
	v3 =	vld.idx.msk [tilespmem:v1+s20+$0x0 ss:$0x1], $0xffff  }
0x45: {  	s18 =	sand.u32 $0x4000, s31;
	v5 =	vld.idx.msk [tilespmem:v1+s20+$0x10 ss:$0x1], $0xffff;
	[tilespmem:v0+s20+$0x0 ss:$0x1] =	vst.idx.msk $0xffff, v7  }
0x46: {  	s21 =	simm.s32 $0x400;
	s19 =	simm.s32 $0x80;
	s18 =	sor.u32 $0x8000, s18;
	[tilespmem:v0+s20+$0xFFFFFF90 ss:$0x1] =	vst.idx.msk $0xffff, v8;
	v7 =	vld.idx.msk [tilespmem:v1+s20+$0x20 ss:$0x1], $0xffff  }
.LBB1_3:
0x47: {  	p1 =	sne.s32 s21, $0xFE00;
	v8 =	vld.idx.msk [tilespmem:v1+s19+$0x30 ss:$0x1], $0xffff;
	[tilespmem:v0+s20+$0xFFFFFFA0 ss:$0x1] =	vst.idx.msk $0xffff, v6  }
0x48: {  	v9 =	vld.idx.msk [tilespmem:v1+s19+$0xFFFFFFC0 ss:$0x1], $0xffff;
	[tilespmem:v0+s20+$0xFFFFFFB0 ss:$0x1] =	vst.idx.msk $0xffff, v4  }
0x49: {  	v6 =	vld.idx.msk [tilespmem:v1+s19+$0xFFFFFFD0 ss:$0x1], $0xffff;
	[tilespmem:v0+s20+$0xFFFFFFC0 ss:$0x1] =	vst.idx.msk $0xffff, v2  }
.Ltmp3:
0x4a: {  	v4 =	vld.idx.msk [tilespmem:v1+s19+$0xFFFFFFE0 ss:$0x1], $0xffff;
	[tilespmem:v0+s20+$0xFFFFFFD0 ss:$0x1] =	vst.idx.msk $0xffff, v3;
	(pc) =	sbr.rel @p1 .LBB1_3-.Ltmp3, $4  }
0x4b: {  	v2 =	vld.idx.msk [tilespmem:v1+s19+$0xFFFFFFF0 ss:$0x1], $0xffff;
	[tilespmem:v0+s20+$0xFFFFFFE0 ss:$0x1] =	vst.idx.msk $0xffff, v5  }
0x4c: {  	v3 =	vld.idx.msk [tilespmem:v1+s19+$0x0 ss:$0x1], $0xffff;
	[tilespmem:v0+s20+$0xFFFFFFF0 ss:$0x1] =	vst.idx.msk $0xffff, v7;
	s20 =	smov.u32 s19  }
0x4d: {  	v5 =	vld.idx.msk [tilespmem:v1+s20+$0x10 ss:$0x1], $0xffff;
	[tilespmem:v0+s20+$0x0 ss:$0x1] =	vst.idx.msk $0xffff, v8  }
0x4e: {  	s19 =	sshra.s32 s21, $0x2;
	s21 =	sadd.s32 $0x200, s21;
	[tilespmem:v0+s20+$0xFFFFFF90 ss:$0x1] =	vst.idx.msk $0xffff, v9;
	v7 =	vld.idx.msk [tilespmem:v1+s20+$0x20 ss:$0x1], $0xffff  }
.Ltmp4:
0x4f: {  	_ = 	snop;
	(pc) =	sbr.rel .LBB1_4-.Ltmp4, $1  }
0x50: {  	_ =	sdelay $0x3  }
.LBB1_6:
0x51: {  	_ =	sfence.sel $0x180000  }
0x52: {  	s2 =	simm.s32 $0x1;
	[bflag:$0x0] =	sbarrier.arrive $0xFFFF  }
0x53: {  	s31 =	simm.s32 $0x2;
	[sflag:s2] =	ssyncpa.u1 $0x1  }
0x54: {  	[sflag:s31] =	ssyncpa.u1 $0x1  }
0x55: {  	p0 =	sne.s32 s1, $0x0;
	_ =	strace $0x90000047  }
0x56: {  	s0 =	sadd.s32 @!p0 $0x100000, s0;
	[bflag:$0x2] =	sbarrier.arrive $0xFFFF  }
0x57: {  	[sflag:s0] =	ssyncadd.tile.s32 @!p0 $0x1;
	_ =	shalt  }
.Lfunc_end1:
_tile_overlayer_lowered:
.L_overlay_start_2:
0x58: {  	(tag) =	ssettag $0x2  }
0x59: {  	s0 =	rddreg [dreg:$0x0];
	s2 =	stileid.u32  }
0x5a: {  	s1 =	rddreg [dreg:$0x1];
	p0 =	sne.s32 s2, $0x0  }
0x5b: {  	s3 =	rddreg [dreg:$0x2];
	[bflag:$0x3] =	sbarrier.arrive $0xFFFF;
	s2 =	simm.s32 @!p0 $0x1C01  }
0x5c: {  	[timem:s3], [sflag:s2] =	dma.local @!p0 [hbm:s0], s1  }
0x5d: {  	s0 =	simm.s32 @!p0 $0x1  }
0x5e: {  	_ =	swait.ge @!p0 [sflag:s0], s1  }
0x5f: {  	s1 =	ssub.s32 @!p0 $0x0, s1;
	[sflag:s0] =	ssyncset.done @!p0 $0x0  }
0x60: {  	[sflag:s0] =	ssyncadd.s32 @!p0 s1  }
0x61: {  	[bflag:$0x3] =	sbarrier.arrive $0xFFFF  }
0x62: {  	_ =	shalt  }

</sc_bundles>
